<compile_context>
chip_gen: v7x
topology: tpu7x:2x2x1
jax: 0.10.2.dev20260603
libtpu: 0.0.44.dev20260713+nightly
codegen_flags: <defaults>
</compile_context>

<pallas_src>
import functools

import jax
import jax.numpy as jnp
from jax import lax
from jax.experimental import pallas as pl
from jax.experimental.pallas import tpu as pltpu
from jax.experimental.pallas import tpu_sc as plsc

B, N, K, H, V = 8, 128, 8, 32, 512
HP = H // 2
NW = 32
BW = 136


def _splat(x):
    return jnp.full((16,), x, jnp.int32)


def _sc_body(tab_hbm, ed_hbm, bias_hbm, out_hbm, tab_v, idx_v, bias_v,
             slab_v, sin0, sin1, sout0, sout1):
    wid = lax.axis_index("s") * 2 + lax.axis_index("c")
    b = wid // 4
    iblk = wid % 4
    pltpu.sync_copy(tab_hbm, tab_v)
    pltpu.sync_copy(bias_hbm.at[b], bias_v)
    lane = lax.iota(jnp.int32, 16)
    eighth = jnp.full((32,), 0.125, jnp.bfloat16)
    sin = (sin0, sin1)
    sout = (sout0, sout1)
    row0 = b * N + iblk * 32

    pltpu.make_async_copy(ed_hbm.at[row0], idx_v.at[0], sin[0]).start()

    def compute_row(rr, p):
        r = iblk * 32 + rr + 1
        slab = slab_v.at[p]

        def g_body(g):
            d = [idx_v[p, pl.ds(k * N + g * 16, 16)] for k in range(K)]
            bias_g = bias_v[pl.ds(r * BW + 1 + g * 16, 16)]

            def hp_body(hp):
                a = [
                    plsc.bitcast(
                        plsc.load_gather(tab_v, [d[k] + hp * V]),
                        jnp.bfloat16)
                    for k in range(K)
                ]
                s = ((a[0] + a[1]) + (a[2] + a[3])) + (
                    (a[4] + a[5]) + (a[6] + a[7]))
                e0, e1 = plsc.unpack(s * eighth,
                                     format=plsc.PackFormat.INTERLEAVED)
                col = lane + (1 + g * 16)
                plsc.store_scatter(slab, [_splat(2 * hp), col],
                                   e0 + bias_g)
                plsc.store_scatter(slab, [_splat(2 * hp + 1), col],
                                   e1 + bias_g)

            plsc.parallel_loop(0, HP, 1, unroll=4)(hp_body)

        plsc.parallel_loop(0, N // 16, 1)(g_body)

        v0 = plsc.load_gather(bias_v, [_splat(r * BW)])
        plsc.store_scatter(slab, [lane, _splat(0)], v0)
        plsc.store_scatter(slab, [lane + 16, _splat(0)], v0)

    def pair_body(t, _):
        for p in range(2):
            rr = 2 * t + p
            r = iblk * 32 + rr + 1
            pltpu.make_async_copy(
                ed_hbm.at[row0 + rr], idx_v.at[p], sin[p]).wait()
            if p == 0:
                pltpu.make_async_copy(
                    ed_hbm.at[row0 + rr + 1], idx_v.at[1], sin[1]).start()
            else:
                @pl.when(t < N // 8 - 1)
                def _():
                    pltpu.make_async_copy(
                        ed_hbm.at[row0 + rr + 1], idx_v.at[0],
                        sin[0]).start()

            @pl.when(t >= 1)
            def _():
                pltpu.make_async_copy(
                    slab_v.at[p], out_hbm.at[b, :, r - 2, :],
                    sout[p]).wait()

            compute_row(rr, p)
            pltpu.make_async_copy(
                slab_v.at[p], out_hbm.at[b, :, r, :], sout[p]).start()
        return 0

    lax.fori_loop(0, N // 8, pair_body, 0)
    for p in range(2):
        pltpu.make_async_copy(
            slab_v.at[p], out_hbm.at[b, :, iblk * 32 + 31 + p, :],
            sout[p]).wait()

    @pl.when(iblk == 0)
    def _():
        def h_body(h, _):
            for g in range(N // 16):
                bg = bias_v[pl.ds(g * 16, 16)]
                plsc.store_scatter(slab_v.at[0],
                                   [_splat(h), lane + g * 16], bg)
            return 0

        lax.fori_loop(0, H, h_body, 0)
        v128 = plsc.load_gather(bias_v, [_splat(N)])
        plsc.store_scatter(slab_v.at[0], [lane, _splat(N)], v128)
        plsc.store_scatter(slab_v.at[0], [lane + 16, _splat(N)], v128)
        pltpu.sync_copy(slab_v.at[0], out_hbm.at[b, :, 0, :])


@jax.jit
def _sc_full(tab_packed, ed_rows, bias2):
    mesh = plsc.VectorSubcoreMesh(core_axis_name="c", subcore_axis_name="s")
    return pl.kernel(
        _sc_body,
        out_type=jax.ShapeDtypeStruct((B, H, N + 1, N + 1), jnp.float32),
        mesh=mesh,
        compiler_params=pltpu.CompilerParams(needs_layout_passes=False),
        scratch_types=[
            pltpu.VMEM((HP * V,), jnp.int32),
            pltpu.VMEM((2, N * K), jnp.int32),
            pltpu.VMEM(((N + 1) * BW,), jnp.float32),
            pltpu.VMEM((2, H, N + 1), jnp.float32),
            pltpu.SemaphoreType.DMA,
            pltpu.SemaphoreType.DMA,
            pltpu.SemaphoreType.DMA,
            pltpu.SemaphoreType.DMA,
        ],
    )(tab_packed, ed_rows, bias2)


def kernel(attn_bias, edge_data, edge_encoder_weight):
    ed = jnp.transpose(edge_data.astype(jnp.int32), (0, 1, 3, 2)).reshape(
        B * N, K * N)
    w16 = lax.bitcast_convert_type(
        edge_encoder_weight.astype(jnp.bfloat16), jnp.uint16
    ).astype(jnp.uint32)
    packed = (w16[:, 0::2] | (w16[:, 1::2] << 16)).astype(jnp.int32)
    tab = packed.T.reshape(HP * V)
    bias2 = jnp.pad(2.0 * attn_bias,
                    ((0, 0), (0, 0), (0, BW - (N + 1)))).reshape(
                        B, (N + 1) * BW)
    return _sc_full(tab, ed, bias2)

# --- scband reference (transcript-rebuilt; emitter-appended) ---
"""Pipeline reference for scband-graph-attn-bias-84026740179715 (READ-ONLY COPY).

The authoritative reference and input builder live on the scoring server;
editing this copy changes nothing except your own understanding.
"""

import jax, jax.numpy as jnp
import numpy as np

NUM_HEADS = 32
NUM_EDGES = 512
B, N, K = 8, 128, 8

def setup_inputs(seed: int = 0) -> dict:
    key = jax.random.key(seed)
    k1, k2, k3 = jax.random.split(key, 3)
    attn_bias = jax.random.normal(k1, (B, N + 1, N + 1), dtype=jnp.float32)
    edge_data = jax.random.randint(k2, (B, N, N, K), 0, NUM_EDGES, dtype=jnp.int64)
    # nn.Embedding(num_edges, num_heads, padding_idx=0): init normal(0, 0.02), row 0 zeroed
    edge_encoder_weight = 0.02 * jax.random.normal(k3, (NUM_EDGES, NUM_HEADS), dtype=jnp.float32)
    edge_encoder_weight = edge_encoder_weight.at[0].set(0.0)
    return {"attn_bias": attn_bias, "edge_data": edge_data, "edge_encoder_weight": edge_encoder_weight}

def reference(attn_bias, edge_data, edge_encoder_weight):
    H = edge_encoder_weight.shape[1]
    # graph_attn_bias = attn_bias.clone().unsqueeze(1).repeat(1, H, 1, 1)
    graph_attn_bias = jnp.repeat(attn_bias[:, None, :, :], H, axis=1)
    # edge_input = self.edge_encoder(edge_data).mean(-2).permute(0, 3, 1, 2)
    edge_emb = jnp.take(edge_encoder_weight, edge_data, axis=0)  # [B, N, N, K, H]
    edge_input = jnp.transpose(jnp.mean(edge_emb, axis=-2), (0, 3, 1, 2))  # [B, H, N, N]
    # graph_attn_bias[:, :, 1:, 1:] += edge_input
    graph_attn_bias = graph_attn_bias.at[:, :, 1:, 1:].add(edge_input)
    # graph_attn_bias = graph_attn_bias + attn_bias.unsqueeze(1)
    graph_attn_bias = graph_attn_bias + attn_bias[:, None, :, :]
    return graph_attn_bias

if __name__ == "__main__":
    import jax
    _d = setup_inputs()
    print(jax.jit(kernel)(*tuple(_d.values())))

</pallas_src>

<mosaic_0001>
#map = affine_map<(d0, d1) -> (0)>
#map1 = affine_map<(d0, d1) -> (0, 0)>
#map2 = affine_map<(d0, d1) -> (0, 0, 0, 0)>
module attributes {stable_mosaic.version = 14 : i64} {
  func.func @_sc_body(%arg0: i32, %arg1: i32, %arg2: memref<8192xi32, #tpu.memory_space<hbm>>, %arg3: memref<1024x1024xi32, #tpu.memory_space<hbm>>, %arg4: memref<8x17544xf32, #tpu.memory_space<hbm>>, %arg5: memref<8x32x129x129xf32, #tpu.memory_space<hbm>>, %arg6: memref<8192xi32, #tpu.memory_space<vmem>>, %arg7: memref<2x1024xi32, #tpu.memory_space<vmem>>, %arg8: memref<17544xf32, #tpu.memory_space<vmem>>, %arg9: memref<2x32x129xf32, #tpu.memory_space<vmem>>, %arg10: memref<!tpu.dma_semaphore, #tpu.memory_space<semaphore_mem>>, %arg11: memref<!tpu.dma_semaphore, #tpu.memory_space<semaphore_mem>>, %arg12: memref<!tpu.dma_semaphore, #tpu.memory_space<semaphore_mem>>, %arg13: memref<!tpu.dma_semaphore, #tpu.memory_space<semaphore_mem>>) attributes {dimension_semantics = [#tpu.dimension_semantics<core_parallel>, #tpu.dimension_semantics<subcore_parallel>], iteration_bounds = array<i64: 2, 16>, scalar_prefetch = 0 : i64, scratch_operands = 8 : i64, tpu.core_type = #tpu.core_type<sc_vector_subcore>, window_params = [{transform_indices = #map}, {transform_indices = #map1}, {transform_indices = #map1}, {transform_indices = #map2}]} {
    %mul3A = arith.constant 2 : i32
    %mul3A_0 = arith.muli %arg1, %mul3A : i32
    %add3A = arith.addi %mul3A_0, %arg0 : i32
    %jit3A = arith.constant 4 : i32
    %div3A = arith.divsi %add3A, %jit3A : i32
    %sign3A = arith.constant 0 : i32
    %sign3A_1 = arith.cmpi sgt, %add3A, %sign3A : i32
    %sign3A_2 = arith.extui %sign3A_1 : i1 to i32
    %sign3A_3 = arith.constant 0 : i32
    %sign3A_4 = arith.cmpi slt, %add3A, %sign3A_3 : i32
    %sign3A_5 = arith.extui %sign3A_4 : i1 to i32
    %sign3A_6 = arith.subi %sign3A_2, %sign3A_5 : i32
    %sign3A_7 = arith.constant 0 : i32
    %sign3A_8 = arith.cmpi sgt, %jit3A, %sign3A_7 : i32
    %sign3A_9 = arith.extui %sign3A_8 : i1 to i32
    %sign3A_10 = arith.constant 0 : i32
    %sign3A_11 = arith.cmpi slt, %jit3A, %sign3A_10 : i32
    %sign3A_12 = arith.extui %sign3A_11 : i1 to i32
    %sign3A_13 = arith.subi %sign3A_9, %sign3A_12 : i32
    %ne3A = arith.cmpi ne, %sign3A_6, %sign3A_13 : i32
    %rem3A = arith.remsi %add3A, %jit3A : i32
    %ne3A_14 = arith.constant 0 : i32
    %ne3A_15 = arith.cmpi ne, %rem3A, %ne3A_14 : i32
    %and3A = arith.andi %ne3A, %ne3A_15 : i1
    %sub3A = arith.constant 1 : i32
    %sub3A_16 = arith.subi %div3A, %sub3A : i32
    %select_n3A = arith.select %and3A, %sub3A_16, %div3A : i32
    %jit3A_17 = arith.constant 4 : i32
    %eq3A = arith.constant 0 : i32
    %eq3A_18 = arith.cmpi eq, %jit3A_17, %eq3A : i32
    %jit3A_19 = arith.constant 1 : i32
    %select_n3A_20 = arith.select %eq3A_18, %jit3A_19, %jit3A_17 : i32
    %rem3A_21 = arith.remsi %add3A, %select_n3A_20 : i32
    %ne3A_22 = arith.constant 0 : i32
    %ne3A_23 = arith.cmpi ne, %rem3A_21, %ne3A_22 : i32
    %lt3A = arith.constant 0 : i32
    %lt3A_24 = arith.cmpi slt, %rem3A_21, %lt3A : i32
    %lt3A_25 = arith.constant 0 : i32
    %lt3A_26 = arith.cmpi slt, %select_n3A_20, %lt3A_25 : i32
    %ne3A_27 = arith.xori %lt3A_24, %lt3A_26 : i1
    %and3A_28 = arith.andi %ne3A_27, %ne3A_23 : i1
    %add3A_29 = arith.addi %rem3A_21, %select_n3A_20 : i32
    %select_n3A_30 = arith.select %and3A_28, %add3A_29, %rem3A_21 : i32
    "tpu.region"() ({
      %run_scoped3A = tpu.sem_alloc : memref<!tpu.dma_semaphore, #tpu.memory_space<semaphore_mem>>
      tpu.enqueue_dma source(%arg2 : memref<8192xi32, #tpu.memory_space<hbm>>) target(%arg6 : memref<8192xi32, #tpu.memory_space<vmem>>) target_semaphore(%run_scoped3A : memref<!tpu.dma_semaphore, #tpu.memory_space<semaphore_mem>>)
      tpu.wait_dma2 semaphore(%run_scoped3A : memref<!tpu.dma_semaphore, #tpu.memory_space<semaphore_mem>>) src(%arg2 : memref<8192xi32, #tpu.memory_space<hbm>>) dst(%arg6 : memref<8192xi32, #tpu.memory_space<vmem>>)
      tpu.yield
    }) : () -> ()
    "tpu.region"() ({
      %run_scoped3A = tpu.sem_alloc : memref<!tpu.dma_semaphore, #tpu.memory_space<semaphore_mem>>
      %dma_start3A_103 = arith.constant 0 : i32
      %dma_start3A_104 = tpu.memref_slice %arg4[%select_n3A, %dma_start3A_103] : memref<8x17544xf32, #tpu.memory_space<hbm>> -> memref<1x17544xf32, #tpu.memory_space<hbm>>
      %dma_start3A_105 = tpu.memref_squeeze %dma_start3A_104 : memref<1x17544xf32, #tpu.memory_space<hbm>> -> memref<17544xf32, #tpu.memory_space<hbm>>
      %dma_start3A_106 = arith.constant 0 : i32
      %dma_start3A_107 = tpu.memref_slice %arg4[%select_n3A, %dma_start3A_106] : memref<8x17544xf32, #tpu.memory_space<hbm>> -> memref<1x17544xf32, #tpu.memory_space<hbm>>
      %dma_start3A_108 = tpu.memref_squeeze %dma_start3A_107 : memref<1x17544xf32, #tpu.memory_space<hbm>> -> memref<17544xf32, #tpu.memory_space<hbm>>
      tpu.enqueue_dma source(%dma_start3A_108 : memref<17544xf32, #tpu.memory_space<hbm>>) target(%arg8 : memref<17544xf32, #tpu.memory_space<vmem>>) target_semaphore(%run_scoped3A : memref<!tpu.dma_semaphore, #tpu.memory_space<semaphore_mem>>)
      %dma_wait3A_109 = arith.constant 0 : i32
      %dma_wait3A_110 = tpu.memref_slice %arg4[%select_n3A, %dma_wait3A_109] : memref<8x17544xf32, #tpu.memory_space<hbm>> -> memref<1x17544xf32, #tpu.memory_space<hbm>>
      %dma_wait3A_111 = tpu.memref_squeeze %dma_wait3A_110 : memref<1x17544xf32, #tpu.memory_space<hbm>> -> memref<17544xf32, #tpu.memory_space<hbm>>
      %dma_wait3A_112 = arith.constant 0 : i32
      %dma_wait3A_113 = tpu.memref_slice %arg4[%select_n3A, %dma_wait3A_112] : memref<8x17544xf32, #tpu.memory_space<hbm>> -> memref<1x17544xf32, #tpu.memory_space<hbm>>
      %dma_wait3A_114 = tpu.memref_squeeze %dma_wait3A_113 : memref<1x17544xf32, #tpu.memory_space<hbm>> -> memref<17544xf32, #tpu.memory_space<hbm>>
      tpu.wait_dma2 semaphore(%run_scoped3A : memref<!tpu.dma_semaphore, #tpu.memory_space<semaphore_mem>>) src(%dma_wait3A_114 : memref<17544xf32, #tpu.memory_space<hbm>>) dst(%arg8 : memref<17544xf32, #tpu.memory_space<vmem>>)
      tpu.yield
    }) : () -> ()
    %iota3A = tpu.iota {dimensions = array<i32: 0>} : vector<16xi32>
    %broadcast_in_dim3A = arith.constant 1.250000e-01 : bf16
    %broadcast_in_dim3A_31 = vector.broadcast %broadcast_in_dim3A : bf16 to vector<32xbf16>
    %mul3A_32 = arith.constant 128 : i32
    %mul3A_33 = arith.muli %select_n3A, %mul3A_32 : i32
    %mul3A_34 = arith.constant 32 : i32
    %mul3A_35 = arith.muli %select_n3A_30, %mul3A_34 : i32
    %add3A_36 = arith.addi %mul3A_33, %mul3A_35 : i32
    %dma_start3A = arith.constant 0 : i32
    %dma_start3A_37 = arith.constant 0 : i32
    %dma_start3A_38 = tpu.memref_slice %arg7[%dma_start3A, %dma_start3A_37] : memref<2x1024xi32, #tpu.memory_space<vmem>> -> memref<1x1024xi32, #tpu.memory_space<vmem>>
    %dma_start3A_39 = tpu.memref_squeeze %dma_start3A_38 : memref<1x1024xi32, #tpu.memory_space<vmem>> -> memref<1024xi32, #tpu.memory_space<vmem>>
    %dma_start3A_40 = arith.constant 0 : i32
    %dma_start3A_41 = tpu.memref_slice %arg3[%add3A_36, %dma_start3A_40] : memref<1024x1024xi32, #tpu.memory_space<hbm>> -> memref<1x1024xi32, #tpu.memory_space<hbm>>
    %dma_start3A_42 = tpu.memref_squeeze %dma_start3A_41 : memref<1x1024xi32, #tpu.memory_space<hbm>> -> memref<1024xi32, #tpu.memory_space<hbm>>
    %dma_start3A_43 = arith.constant 0 : i32
    %dma_start3A_44 = tpu.memref_slice %arg7[%dma_start3A, %dma_start3A_43] : memref<2x1024xi32, #tpu.memory_space<vmem>> -> memref<1x1024xi32, #tpu.memory_space<vmem>>
    %dma_start3A_45 = tpu.memref_squeeze %dma_start3A_44 : memref<1x1024xi32, #tpu.memory_space<vmem>> -> memref<1024xi32, #tpu.memory_space<vmem>>
    %dma_start3A_46 = arith.constant 0 : i32
    %dma_start3A_47 = tpu.memref_slice %arg3[%add3A_36, %dma_start3A_46] : memref<1024x1024xi32, #tpu.memory_space<hbm>> -> memref<1x1024xi32, #tpu.memory_space<hbm>>
    %dma_start3A_48 = tpu.memref_squeeze %dma_start3A_47 : memref<1x1024xi32, #tpu.memory_space<hbm>> -> memref<1024xi32, #tpu.memory_space<hbm>>
    tpu.enqueue_dma source(%dma_start3A_48 : memref<1024xi32, #tpu.memory_space<hbm>>) target(%dma_start3A_45 : memref<1024xi32, #tpu.memory_space<vmem>>) target_semaphore(%arg10 : memref<!tpu.dma_semaphore, #tpu.memory_space<semaphore_mem>>)
    %scan3A = arith.constant 0 : i32
    %scan3A_49 = arith.constant 0 : i32
    %scan3A_50 = arith.constant 16 : i32
    %scan3A_51 = arith.addi %scan3A_49, %scan3A_50 : i32
    %scan3A_52 = arith.constant 1 : i32
    %scan3A_53 = scf.for %scan3A_103 = %scan3A_49 to %scan3A_51 step %scan3A_52 iter_args(%scan3A_104 = %scan3A) -> (i32)  : i32 {
      %mul3A_105 = arith.constant 2 : i32
      %mul3A_106 = arith.muli %mul3A_105, %scan3A_103 : i32
      %add3A_107 = arith.constant 0 : i32
      %add3A_108 = arith.addi %mul3A_106, %add3A_107 : i32
      %mul3A_109 = arith.constant 32 : i32
      %mul3A_110 = arith.muli %select_n3A_30, %mul3A_109 : i32
      %add3A_111 = arith.addi %mul3A_110, %add3A_108 : i32
      %add3A_112 = arith.constant 1 : i32
      %add3A_113 = arith.addi %add3A_111, %add3A_112 : i32
      %add3A_114 = arith.addi %add3A_36, %add3A_108 : i32
      %dma_wait3A_115 = arith.constant 0 : i32
      %dma_wait3A_116 = arith.constant 0 : i32
      %dma_wait3A_117 = tpu.memref_slice %arg7[%dma_wait3A_115, %dma_wait3A_116] : memref<2x1024xi32, #tpu.memory_space<vmem>> -> memref<1x1024xi32, #tpu.memory_space<vmem>>
      %dma_wait3A_118 = tpu.memref_squeeze %dma_wait3A_117 : memref<1x1024xi32, #tpu.memory_space<vmem>> -> memref<1024xi32, #tpu.memory_space<vmem>>
      %dma_wait3A_119 = arith.constant 0 : i32
      %dma_wait3A_120 = tpu.memref_slice %arg3[%add3A_114, %dma_wait3A_119] : memref<1024x1024xi32, #tpu.memory_space<hbm>> -> memref<1x1024xi32, #tpu.memory_space<hbm>>
      %dma_wait3A_121 = tpu.memref_squeeze %dma_wait3A_120 : memref<1x1024xi32, #tpu.memory_space<hbm>> -> memref<1024xi32, #tpu.memory_space<hbm>>
      %dma_wait3A_122 = arith.constant 0 : i32
      %dma_wait3A_123 = tpu.memref_slice %arg7[%dma_wait3A_115, %dma_wait3A_122] : memref<2x1024xi32, #tpu.memory_space<vmem>> -> memref<1x1024xi32, #tpu.memory_space<vmem>>
      %dma_wait3A_124 = tpu.memref_squeeze %dma_wait3A_123 : memref<1x1024xi32, #tpu.memory_space<vmem>> -> memref<1024xi32, #tpu.memory_space<vmem>>
      %dma_wait3A_125 = arith.constant 0 : i32
      %dma_wait3A_126 = tpu.memref_slice %arg3[%add3A_114, %dma_wait3A_125] : memref<1024x1024xi32, #tpu.memory_space<hbm>> -> memref<1x1024xi32, #tpu.memory_space<hbm>>
      %dma_wait3A_127 = tpu.memref_squeeze %dma_wait3A_126 : memref<1x1024xi32, #tpu.memory_space<hbm>> -> memref<1024xi32, #tpu.memory_space<hbm>>
      tpu.wait_dma2 semaphore(%arg10 : memref<!tpu.dma_semaphore, #tpu.memory_space<semaphore_mem>>) src(%dma_wait3A_127 : memref<1024xi32, #tpu.memory_space<hbm>>) dst(%dma_wait3A_124 : memref<1024xi32, #tpu.memory_space<vmem>>)
      %add3A_128 = arith.addi %add3A_36, %add3A_108 : i32
      %add3A_129 = arith.constant 1 : i32
      %add3A_130 = arith.addi %add3A_128, %add3A_129 : i32
      %dma_start3A_131 = arith.constant 1 : i32
      %dma_start3A_132 = arith.constant 0 : i32
      %dma_start3A_133 = tpu.memref_slice %arg7[%dma_start3A_131, %dma_start3A_132] : memref<2x1024xi32, #tpu.memory_space<vmem>> -> memref<1x1024xi32, #tpu.memory_space<vmem>>
      %dma_start3A_134 = tpu.memref_squeeze %dma_start3A_133 : memref<1x1024xi32, #tpu.memory_space<vmem>> -> memref<1024xi32, #tpu.memory_space<vmem>>
      %dma_start3A_135 = arith.constant 0 : i32
      %dma_start3A_136 = tpu.memref_slice %arg3[%add3A_130, %dma_start3A_135] : memref<1024x1024xi32, #tpu.memory_space<hbm>> -> memref<1x1024xi32, #tpu.memory_space<hbm>>
      %dma_start3A_137 = tpu.memref_squeeze %dma_start3A_136 : memref<1x1024xi32, #tpu.memory_space<hbm>> -> memref<1024xi32, #tpu.memory_space<hbm>>
      %dma_start3A_138 = arith.constant 0 : i32
      %dma_start3A_139 = tpu.memref_slice %arg7[%dma_start3A_131, %dma_start3A_138] : memref<2x1024xi32, #tpu.memory_space<vmem>> -> memref<1x1024xi32, #tpu.memory_space<vmem>>
      %dma_start3A_140 = tpu.memref_squeeze %dma_start3A_139 : memref<1x1024xi32, #tpu.memory_space<vmem>> -> memref<1024xi32, #tpu.memory_space<vmem>>
      %dma_start3A_141 = arith.constant 0 : i32
      %dma_start3A_142 = tpu.memref_slice %arg3[%add3A_130, %dma_start3A_141] : memref<1024x1024xi32, #tpu.memory_space<hbm>> -> memref<1x1024xi32, #tpu.memory_space<hbm>>
      %dma_start3A_143 = tpu.memref_squeeze %dma_start3A_142 : memref<1x1024xi32, #tpu.memory_space<hbm>> -> memref<1024xi32, #tpu.memory_space<hbm>>
      tpu.enqueue_dma source(%dma_start3A_143 : memref<1024xi32, #tpu.memory_space<hbm>>) target(%dma_start3A_140 : memref<1024xi32, #tpu.memory_space<vmem>>) target_semaphore(%arg11 : memref<!tpu.dma_semaphore, #tpu.memory_space<semaphore_mem>>)
      %ge3A = arith.constant 1 : i32
      %ge3A_144 = arith.cmpi sge, %scan3A_103, %ge3A : i32
      %convert_element_type3A_145 = arith.extui %ge3A_144 : i1 to i32
      %cond3A_146 = arith.constant 0 : i32
      %cond3A_147 = arith.cmpi ne, %convert_element_type3A_145, %cond3A_146 : i32
      scf.if %cond3A_147 {
        %sub3A_273 = arith.constant 2 : i32
        %sub3A_274 = arith.subi %add3A_113, %sub3A_273 : i32
        %dma_wait3A_275 = arith.constant 0 : i32
        %dma_wait3A_276 = arith.constant 0 : i32
        %dma_wait3A_277 = arith.constant 0 : i32
        %dma_wait3A_278 = tpu.memref_slice %arg9[%dma_wait3A_275, %dma_wait3A_276, %dma_wait3A_277] : memref<2x32x129xf32, #tpu.memory_space<vmem>> -> memref<1x32x129xf32, #tpu.memory_space<vmem>>
        %dma_wait3A_279 = tpu.memref_squeeze %dma_wait3A_278 : memref<1x32x129xf32, #tpu.memory_space<vmem>> -> memref<32x129xf32, #tpu.memory_space<vmem>>
        %dma_wait3A_280 = arith.constant 0 : i32
        %dma_wait3A_281 = arith.constant 0 : i32
        %dma_wait3A_282 = tpu.memref_slice %arg5[%select_n3A, %dma_wait3A_280, %sub3A_274, %dma_wait3A_281] : memref<8x32x129x129xf32, #tpu.memory_space<hbm>> -> memref<1x32x1x129xf32, #tpu.memory_space<hbm>>
        %dma_wait3A_283 = tpu.memref_squeeze %dma_wait3A_282 : memref<1x32x1x129xf32, #tpu.memory_space<hbm>> -> memref<32x129xf32, #tpu.memory_space<hbm>>
        %dma_wait3A_284 = arith.constant 0 : i32
        %dma_wait3A_285 = arith.constant 0 : i32
        %dma_wait3A_286 = tpu.memref_slice %arg5[%select_n3A, %dma_wait3A_284, %sub3A_274, %dma_wait3A_285] : memref<8x32x129x129xf32, #tpu.memory_space<hbm>> -> memref<1x32x1x129xf32, #tpu.memory_space<hbm>>
        %dma_wait3A_287 = tpu.memref_squeeze %dma_wait3A_286 : memref<1x32x1x129xf32, #tpu.memory_space<hbm>> -> memref<32x129xf32, #tpu.memory_space<hbm>>
        %dma_wait3A_288 = arith.constant 0 : i32
        %dma_wait3A_289 = arith.constant 0 : i32
        %dma_wait3A_290 = tpu.memref_slice %arg9[%dma_wait3A_275, %dma_wait3A_288, %dma_wait3A_289] : memref<2x32x129xf32, #tpu.memory_space<vmem>> -> memref<1x32x129xf32, #tpu.memory_space<vmem>>
        %dma_wait3A_291 = tpu.memref_squeeze %dma_wait3A_290 : memref<1x32x129xf32, #tpu.memory_space<vmem>> -> memref<32x129xf32, #tpu.memory_space<vmem>>
        tpu.wait_dma2 semaphore(%arg12 : memref<!tpu.dma_semaphore, #tpu.memory_space<semaphore_mem>>) src(%dma_wait3A_291 : memref<32x129xf32, #tpu.memory_space<vmem>>) dst(%dma_wait3A_287 : memref<32x129xf32, #tpu.memory_space<hbm>>)
      } else {
      }
      %mul3A_148 = arith.constant 32 : i32
      %mul3A_149 = arith.muli %select_n3A_30, %mul3A_148 : i32
      %add3A_150 = arith.addi %mul3A_149, %add3A_108 : i32
      %add3A_151 = arith.constant 1 : i32
      %add3A_152 = arith.addi %add3A_150, %add3A_151 : i32
      %parallel_loop3A = arith.constant 0 : i32
      %parallel_loop3A_153 = arith.constant 8 : i32
      %parallel_loop3A_154 = arith.constant 1 : i32
      %parallel_loop3A_155 = arith.constant 0 : i32
      scf.for %parallel_loop3A_273 = %parallel_loop3A to %parallel_loop3A_153 step %parallel_loop3A_154  : i32 {
        %parallel_loop3A_274 = arith.constant 16 : i32
        %parallel_loop3A_275 = arith.muli %parallel_loop3A_273, %parallel_loop3A_274 : i32
        %parallel_loop3A_276 = arith.constant 0 : i32
        %parallel_loop3A_277 = arith.addi %parallel_loop3A_276, %parallel_loop3A_275 : i32
        %parallel_loop3A_278 = arith.constant 0 : i32
        %parallel_loop3A_279 = arith.index_cast %parallel_loop3A_278 : i32 to index
        %parallel_loop3A_280 = arith.index_cast %parallel_loop3A_277 : i32 to index
        %parallel_loop3A_281 = tpu.vector_load %arg7[%parallel_loop3A_279, %parallel_loop3A_280] {strides = array<i32>} : memref<2x1024xi32, #tpu.memory_space<vmem>>, vector<16xi32>,
        %parallel_loop3A_282 = arith.constant 16 : i32
        %parallel_loop3A_283 = arith.muli %parallel_loop3A_273, %parallel_loop3A_282 : i32
        %parallel_loop3A_284 = arith.constant 128 : i32
        %parallel_loop3A_285 = arith.addi %parallel_loop3A_284, %parallel_loop3A_283 : i32
        %parallel_loop3A_286 = arith.constant 0 : i32
        %parallel_loop3A_287 = arith.index_cast %parallel_loop3A_286 : i32 to index
        %parallel_loop3A_288 = arith.index_cast %parallel_loop3A_285 : i32 to index
        %parallel_loop3A_289 = tpu.vector_load %arg7[%parallel_loop3A_287, %parallel_loop3A_288] {strides = array<i32>} : memref<2x1024xi32, #tpu.memory_space<vmem>>, vector<16xi32>,
        %parallel_loop3A_290 = arith.constant 16 : i32
        %parallel_loop3A_291 = arith.muli %parallel_loop3A_273, %parallel_loop3A_290 : i32
        %parallel_loop3A_292 = arith.constant 256 : i32
        %parallel_loop3A_293 = arith.addi %parallel_loop3A_292, %parallel_loop3A_291 : i32
        %parallel_loop3A_294 = arith.constant 0 : i32
        %parallel_loop3A_295 = arith.index_cast %parallel_loop3A_294 : i32 to index
        %parallel_loop3A_296 = arith.index_cast %parallel_loop3A_293 : i32 to index
        %parallel_loop3A_297 = tpu.vector_load %arg7[%parallel_loop3A_295, %parallel_loop3A_296] {strides = array<i32>} : memref<2x1024xi32, #tpu.memory_space<vmem>>, vector<16xi32>,
        %parallel_loop3A_298 = arith.constant 16 : i32
        %parallel_loop3A_299 = arith.muli %parallel_loop3A_273, %parallel_loop3A_298 : i32
        %parallel_loop3A_300 = arith.constant 384 : i32
        %parallel_loop3A_301 = arith.addi %parallel_loop3A_300, %parallel_loop3A_299 : i32
        %parallel_loop3A_302 = arith.constant 0 : i32
        %parallel_loop3A_303 = arith.index_cast %parallel_loop3A_302 : i32 to index
        %parallel_loop3A_304 = arith.index_cast %parallel_loop3A_301 : i32 to index
        %parallel_loop3A_305 = tpu.vector_load %arg7[%parallel_loop3A_303, %parallel_loop3A_304] {strides = array<i32>} : memref<2x1024xi32, #tpu.memory_space<vmem>>, vector<16xi32>,
        %parallel_loop3A_306 = arith.constant 16 : i32
        %parallel_loop3A_307 = arith.muli %parallel_loop3A_273, %parallel_loop3A_306 : i32
        %parallel_loop3A_308 = arith.constant 512 : i32
        %parallel_loop3A_309 = arith.addi %parallel_loop3A_308, %parallel_loop3A_307 : i32
        %parallel_loop3A_310 = arith.constant 0 : i32
        %parallel_loop3A_311 = arith.index_cast %parallel_loop3A_310 : i32 to index
        %parallel_loop3A_312 = arith.index_cast %parallel_loop3A_309 : i32 to index
        %parallel_loop3A_313 = tpu.vector_load %arg7[%parallel_loop3A_311, %parallel_loop3A_312] {strides = array<i32>} : memref<2x1024xi32, #tpu.memory_space<vmem>>, vector<16xi32>,
        %parallel_loop3A_314 = arith.constant 16 : i32
        %parallel_loop3A_315 = arith.muli %parallel_loop3A_273, %parallel_loop3A_314 : i32
        %parallel_loop3A_316 = arith.constant 640 : i32
        %parallel_loop3A_317 = arith.addi %parallel_loop3A_316, %parallel_loop3A_315 : i32
        %parallel_loop3A_318 = arith.constant 0 : i32
        %parallel_loop3A_319 = arith.index_cast %parallel_loop3A_318 : i32 to index
        %parallel_loop3A_320 = arith.index_cast %parallel_loop3A_317 : i32 to index
        %parallel_loop3A_321 = tpu.vector_load %arg7[%parallel_loop3A_319, %parallel_loop3A_320] {strides = array<i32>} : memref<2x1024xi32, #tpu.memory_space<vmem>>, vector<16xi32>,
        %parallel_loop3A_322 = arith.constant 16 : i32
        %parallel_loop3A_323 = arith.muli %parallel_loop3A_273, %parallel_loop3A_322 : i32
        %parallel_loop3A_324 = arith.constant 768 : i32
        %parallel_loop3A_325 = arith.addi %parallel_loop3A_324, %parallel_loop3A_323 : i32
        %parallel_loop3A_326 = arith.constant 0 : i32
        %parallel_loop3A_327 = arith.index_cast %parallel_loop3A_326 : i32 to index
        %parallel_loop3A_328 = arith.index_cast %parallel_loop3A_325 : i32 to index
        %parallel_loop3A_329 = tpu.vector_load %arg7[%parallel_loop3A_327, %parallel_loop3A_328] {strides = array<i32>} : memref<2x1024xi32, #tpu.memory_space<vmem>>, vector<16xi32>,
        %parallel_loop3A_330 = arith.constant 16 : i32
        %parallel_loop3A_331 = arith.muli %parallel_loop3A_273, %parallel_loop3A_330 : i32
        %parallel_loop3A_332 = arith.constant 896 : i32
        %parallel_loop3A_333 = arith.addi %parallel_loop3A_332, %parallel_loop3A_331 : i32
        %parallel_loop3A_334 = arith.constant 0 : i32
        %parallel_loop3A_335 = arith.index_cast %parallel_loop3A_334 : i32 to index
        %parallel_loop3A_336 = arith.index_cast %parallel_loop3A_333 : i32 to index
        %parallel_loop3A_337 = tpu.vector_load %arg7[%parallel_loop3A_335, %parallel_loop3A_336] {strides = array<i32>} : memref<2x1024xi32, #tpu.memory_space<vmem>>, vector<16xi32>,
        %parallel_loop3A_338 = arith.constant 136 : i32
        %parallel_loop3A_339 = arith.muli %add3A_152, %parallel_loop3A_338 : i32
        %parallel_loop3A_340 = arith.constant 1 : i32
        %parallel_loop3A_341 = arith.addi %parallel_loop3A_339, %parallel_loop3A_340 : i32
        %parallel_loop3A_342 = arith.constant 16 : i32
        %parallel_loop3A_343 = arith.muli %parallel_loop3A_273, %parallel_loop3A_342 : i32
        %parallel_loop3A_344 = arith.addi %parallel_loop3A_341, %parallel_loop3A_343 : i32
        %parallel_loop3A_345 = arith.index_cast %parallel_loop3A_344 : i32 to index
        %parallel_loop3A_346 = tpu.vector_load %arg8[%parallel_loop3A_345] {strides = array<i32>} : memref<17544xf32, #tpu.memory_space<vmem>>, vector<16xf32>,
        %parallel_loop3A_347 = arith.constant 0 : i32
        %parallel_loop3A_348 = arith.constant 16 : i32
        %parallel_loop3A_349 = arith.constant 1 : i32
        scf.for %parallel_loop3A_350 = %parallel_loop3A_347 to %parallel_loop3A_348 step %parallel_loop3A_349  : i32 {
          %parallel_loop3A_351 = arith.constant 512 : i32
          %parallel_loop3A_352 = arith.muli %parallel_loop3A_350, %parallel_loop3A_351 : i32
          %parallel_loop3A_353 = vector.broadcast %parallel_loop3A_352 : i32 to vector<16xi32>
          %parallel_loop3A_354 = arith.addi %parallel_loop3A_281, %parallel_loop3A_353 : vector<16xi32>
          %parallel_loop3A_355 = tpu.vector_load_idx %arg6[%parallel_loop3A_354] : memref<8192xi32, #tpu.memory_space<vmem>>[vector<16xi32>], vector<16xi32>,
          %parallel_loop3A_356 = vector.bitcast %parallel_loop3A_355 : vector<16xi32> to vector<32xbf16>
          %parallel_loop3A_357 = arith.constant 512 : i32
          %parallel_loop3A_358 = arith.muli %parallel_loop3A_350, %parallel_loop3A_357 : i32
          %parallel_loop3A_359 = vector.broadcast %parallel_loop3A_358 : i32 to vector<16xi32>
          %parallel_loop3A_360 = arith.addi %parallel_loop3A_289, %parallel_loop3A_359 : vector<16xi32>
          %parallel_loop3A_361 = tpu.vector_load_idx %arg6[%parallel_loop3A_360] : memref<8192xi32, #tpu.memory_space<vmem>>[vector<16xi32>], vector<16xi32>,
          %parallel_loop3A_362 = vector.bitcast %parallel_loop3A_361 : vector<16xi32> to vector<32xbf16>
          %parallel_loop3A_363 = arith.constant 512 : i32
          %parallel_loop3A_364 = arith.muli %parallel_loop3A_350, %parallel_loop3A_363 : i32
          %parallel_loop3A_365 = vector.broadcast %parallel_loop3A_364 : i32 to vector<16xi32>
          %parallel_loop3A_366 = arith.addi %parallel_loop3A_297, %parallel_loop3A_365 : vector<16xi32>
          %parallel_loop3A_367 = tpu.vector_load_idx %arg6[%parallel_loop3A_366] : memref<8192xi32, #tpu.memory_space<vmem>>[vector<16xi32>], vector<16xi32>,
          %parallel_loop3A_368 = vector.bitcast %parallel_loop3A_367 : vector<16xi32> to vector<32xbf16>
          %parallel_loop3A_369 = arith.constant 512 : i32
          %parallel_loop3A_370 = arith.muli %parallel_loop3A_350, %parallel_loop3A_369 : i32
          %parallel_loop3A_371 = vector.broadcast %parallel_loop3A_370 : i32 to vector<16xi32>
          %parallel_loop3A_372 = arith.addi %parallel_loop3A_305, %parallel_loop3A_371 : vector<16xi32>
          %parallel_loop3A_373 = tpu.vector_load_idx %arg6[%parallel_loop3A_372] : memref<8192xi32, #tpu.memory_space<vmem>>[vector<16xi32>], vector<16xi32>,
          %parallel_loop3A_374 = vector.bitcast %parallel_loop3A_373 : vector<16xi32> to vector<32xbf16>
          %parallel_loop3A_375 = arith.constant 512 : i32
          %parallel_loop3A_376 = arith.muli %parallel_loop3A_350, %parallel_loop3A_375 : i32
          %parallel_loop3A_377 = vector.broadcast %parallel_loop3A_376 : i32 to vector<16xi32>
          %parallel_loop3A_378 = arith.addi %parallel_loop3A_313, %parallel_loop3A_377 : vector<16xi32>
          %parallel_loop3A_379 = tpu.vector_load_idx %arg6[%parallel_loop3A_378] : memref<8192xi32, #tpu.memory_space<vmem>>[vector<16xi32>], vector<16xi32>,
          %parallel_loop3A_380 = vector.bitcast %parallel_loop3A_379 : vector<16xi32> to vector<32xbf16>
          %parallel_loop3A_381 = arith.constant 512 : i32
          %parallel_loop3A_382 = arith.muli %parallel_loop3A_350, %parallel_loop3A_381 : i32
          %parallel_loop3A_383 = vector.broadcast %parallel_loop3A_382 : i32 to vector<16xi32>
          %parallel_loop3A_384 = arith.addi %parallel_loop3A_321, %parallel_loop3A_383 : vector<16xi32>
          %parallel_loop3A_385 = tpu.vector_load_idx %arg6[%parallel_loop3A_384] : memref<8192xi32, #tpu.memory_space<vmem>>[vector<16xi32>], vector<16xi32>,
          %parallel_loop3A_386 = vector.bitcast %parallel_loop3A_385 : vector<16xi32> to vector<32xbf16>
          %parallel_loop3A_387 = arith.constant 512 : i32
          %parallel_loop3A_388 = arith.muli %parallel_loop3A_350, %parallel_loop3A_387 : i32
          %parallel_loop3A_389 = vector.broadcast %parallel_loop3A_388 : i32 to vector<16xi32>
          %parallel_loop3A_390 = arith.addi %parallel_loop3A_329, %parallel_loop3A_389 : vector<16xi32>
          %parallel_loop3A_391 = tpu.vector_load_idx %arg6[%parallel_loop3A_390] : memref<8192xi32, #tpu.memory_space<vmem>>[vector<16xi32>], vector<16xi32>,
          %parallel_loop3A_392 = vector.bitcast %parallel_loop3A_391 : vector<16xi32> to vector<32xbf16>
          %parallel_loop3A_393 = arith.constant 512 : i32
          %parallel_loop3A_394 = arith.muli %parallel_loop3A_350, %parallel_loop3A_393 : i32
          %parallel_loop3A_395 = vector.broadcast %parallel_loop3A_394 : i32 to vector<16xi32>
          %parallel_loop3A_396 = arith.addi %parallel_loop3A_337, %parallel_loop3A_395 : vector<16xi32>
          %parallel_loop3A_397 = tpu.vector_load_idx %arg6[%parallel_loop3A_396] : memref<8192xi32, #tpu.memory_space<vmem>>[vector<16xi32>], vector<16xi32>,
          %parallel_loop3A_398 = vector.bitcast %parallel_loop3A_397 : vector<16xi32> to vector<32xbf16>
          %parallel_loop3A_399 = arith.addf %parallel_loop3A_356, %parallel_loop3A_362 : vector<32xbf16>
          %parallel_loop3A_400 = arith.addf %parallel_loop3A_368, %parallel_loop3A_374 : vector<32xbf16>
          %parallel_loop3A_401 = arith.addf %parallel_loop3A_399, %parallel_loop3A_400 : vector<32xbf16>
          %parallel_loop3A_402 = arith.addf %parallel_loop3A_380, %parallel_loop3A_386 : vector<32xbf16>
          %parallel_loop3A_403 = arith.addf %parallel_loop3A_392, %parallel_loop3A_398 : vector<32xbf16>
          %parallel_loop3A_404 = arith.addf %parallel_loop3A_402, %parallel_loop3A_403 : vector<32xbf16>
          %parallel_loop3A_405 = arith.addf %parallel_loop3A_401, %parallel_loop3A_404 : vector<32xbf16>
          %parallel_loop3A_406 = arith.mulf %parallel_loop3A_405, %broadcast_in_dim3A_31 : vector<32xbf16>
          %parallel_loop3A_407 = tpu.unpack_subelements %parallel_loop3A_406, 0 {pack_format = #tpu.pack_format<interleaved>} : vector<32xbf16> -> vector<16xf32>
          %parallel_loop3A_408 = tpu.unpack_subelements %parallel_loop3A_406, 1 {pack_format = #tpu.pack_format<interleaved>} : vector<32xbf16> -> vector<16xf32>
          %parallel_loop3A_409 = arith.constant 16 : i32
          %parallel_loop3A_410 = arith.muli %parallel_loop3A_273, %parallel_loop3A_409 : i32
          %parallel_loop3A_411 = arith.constant 1 : i32
          %parallel_loop3A_412 = arith.addi %parallel_loop3A_411, %parallel_loop3A_410 : i32
          %parallel_loop3A_413 = vector.broadcast %parallel_loop3A_412 : i32 to vector<16xi32>
          %parallel_loop3A_414 = arith.addi %iota3A, %parallel_loop3A_413 : vector<16xi32>
          %parallel_loop3A_415 = arith.constant 2 : i32
          %parallel_loop3A_416 = arith.muli %parallel_loop3A_415, %parallel_loop3A_350 : i32
          %parallel_loop3A_417 = vector.broadcast %parallel_loop3A_416 : i32 to vector<16xi32>
          %parallel_loop3A_418 = arith.addf %parallel_loop3A_407, %parallel_loop3A_346 : vector<16xf32>
          %parallel_loop3A_419 = arith.constant 0 : i32
          %parallel_loop3A_420 = arith.constant 0 : i32
          %parallel_loop3A_421 = tpu.memref_slice %arg9[%parallel_loop3A_155, %parallel_loop3A_419, %parallel_loop3A_420] : memref<2x32x129xf32, #tpu.memory_space<vmem>> -> memref<1x32x129xf32, #tpu.memory_space<vmem>>
          %parallel_loop3A_422 = tpu.memref_squeeze %parallel_loop3A_421 : memref<1x32x129xf32, #tpu.memory_space<vmem>> -> memref<32x129xf32, #tpu.memory_space<vmem>>
          tpu.vector_store_idx %parallel_loop3A_422[%parallel_loop3A_417, %parallel_loop3A_414], %parallel_loop3A_418 : memref<32x129xf32, #tpu.memory_space<vmem>>[vector<16xi32>, vector<16xi32>], vector<16xf32>,
          %parallel_loop3A_423 = arith.constant 2 : i32
          %parallel_loop3A_424 = arith.muli %parallel_loop3A_423, %parallel_loop3A_350 : i32
          %parallel_loop3A_425 = arith.constant 1 : i32
          %parallel_loop3A_426 = arith.addi %parallel_loop3A_424, %parallel_loop3A_425 : i32
          %parallel_loop3A_427 = vector.broadcast %parallel_loop3A_426 : i32 to vector<16xi32>
          %parallel_loop3A_428 = arith.addf %parallel_loop3A_408, %parallel_loop3A_346 : vector<16xf32>
          %parallel_loop3A_429 = arith.constant 0 : i32
          %parallel_loop3A_430 = arith.constant 0 : i32
          %parallel_loop3A_431 = tpu.memref_slice %arg9[%parallel_loop3A_155, %parallel_loop3A_429, %parallel_loop3A_430] : memref<2x32x129xf32, #tpu.memory_space<vmem>> -> memref<1x32x129xf32, #tpu.memory_space<vmem>>
          %parallel_loop3A_432 = tpu.memref_squeeze %parallel_loop3A_431 : memref<1x32x129xf32, #tpu.memory_space<vmem>> -> memref<32x129xf32, #tpu.memory_space<vmem>>
          tpu.vector_store_idx %parallel_loop3A_432[%parallel_loop3A_427, %parallel_loop3A_414], %parallel_loop3A_428 : memref<32x129xf32, #tpu.memory_space<vmem>>[vector<16xi32>, vector<16xi32>], vector<16xf32>,
        } {sc.loop_unroll_factor = 4 : i64, sc.parallel_access}
      } {sc.loop_unroll_factor = 1 : i64, sc.parallel_access}
      %mul3A_156 = arith.constant 136 : i32
      %mul3A_157 = arith.muli %add3A_152, %mul3A_156 : i32
      %broadcast_in_dim3A_158 = vector.broadcast %mul3A_157 : i32 to vector<16xi32>
      %gather3A = tpu.vector_load_idx %arg8[%broadcast_in_dim3A_158] : memref<17544xf32, #tpu.memory_space<vmem>>[vector<16xi32>], vector<16xf32>,
      %broadcast_in_dim3A_159 = arith.constant 0 : i32
      %broadcast_in_dim3A_160 = vector.broadcast %broadcast_in_dim3A_159 : i32 to vector<16xi32>
      %scatter3A = arith.constant 0 : i32
      %scatter3A_161 = arith.constant 0 : i32
      %scatter3A_162 = arith.constant 0 : i32
      %scatter3A_163 = tpu.memref_slice %arg9[%scatter3A, %scatter3A_161, %scatter3A_162] : memref<2x32x129xf32, #tpu.memory_space<vmem>> -> memref<1x32x129xf32, #tpu.memory_space<vmem>>
      %scatter3A_164 = tpu.memref_squeeze %scatter3A_163 : memref<1x32x129xf32, #tpu.memory_space<vmem>> -> memref<32x129xf32, #tpu.memory_space<vmem>>
      tpu.vector_store_idx %scatter3A_164[%iota3A, %broadcast_in_dim3A_160], %gather3A : memref<32x129xf32, #tpu.memory_space<vmem>>[vector<16xi32>, vector<16xi32>], vector<16xf32>,
      %add3A_165 = arith.constant 16 : i32
      %add3A_166 = vector.broadcast %add3A_165 : i32 to vector<16xi32>
      %add3A_167 = arith.addi %iota3A, %add3A_166 : vector<16xi32>
      %broadcast_in_dim3A_168 = arith.constant 0 : i32
      %broadcast_in_dim3A_169 = vector.broadcast %broadcast_in_dim3A_168 : i32 to vector<16xi32>
      %scatter3A_170 = arith.constant 0 : i32
      %scatter3A_171 = arith.constant 0 : i32
      %scatter3A_172 = arith.constant 0 : i32
      %scatter3A_173 = tpu.memref_slice %arg9[%scatter3A_170, %scatter3A_171, %scatter3A_172] : memref<2x32x129xf32, #tpu.memory_space<vmem>> -> memref<1x32x129xf32, #tpu.memory_space<vmem>>
      %scatter3A_174 = tpu.memref_squeeze %scatter3A_173 : memref<1x32x129xf32, #tpu.memory_space<vmem>> -> memref<32x129xf32, #tpu.memory_space<vmem>>
      tpu.vector_store_idx %scatter3A_174[%add3A_167, %broadcast_in_dim3A_169], %gather3A : memref<32x129xf32, #tpu.memory_space<vmem>>[vector<16xi32>, vector<16xi32>], vector<16xf32>,
      %dma_start3A_175 = arith.constant 0 : i32
      %dma_start3A_176 = arith.constant 0 : i32
      %dma_start3A_177 = arith.constant 0 : i32
      %dma_start3A_178 = tpu.memref_slice %arg9[%dma_start3A_175, %dma_start3A_176, %dma_start3A_177] : memref<2x32x129xf32, #tpu.memory_space<vmem>> -> memref<1x32x129xf32, #tpu.memory_space<vmem>>
      %dma_start3A_179 = tpu.memref_squeeze %dma_start3A_178 : memref<1x32x129xf32, #tpu.memory_space<vmem>> -> memref<32x129xf32, #tpu.memory_space<vmem>>
      %dma_start3A_180 = arith.constant 0 : i32
      %dma_start3A_181 = arith.constant 0 : i32
      %dma_start3A_182 = tpu.memref_slice %arg5[%select_n3A, %dma_start3A_180, %add3A_113, %dma_start3A_181] : memref<8x32x129x129xf32, #tpu.memory_space<hbm>> -> memref<1x32x1x129xf32, #tpu.memory_space<hbm>>
      %dma_start3A_183 = tpu.memref_squeeze %dma_start3A_182 : memref<1x32x1x129xf32, #tpu.memory_space<hbm>> -> memref<32x129xf32, #tpu.memory_space<hbm>>
      %dma_start3A_184 = arith.constant 0 : i32
      %dma_start3A_185 = arith.constant 0 : i32
      %dma_start3A_186 = tpu.memref_slice %arg5[%select_n3A, %dma_start3A_184, %add3A_113, %dma_start3A_185] : memref<8x32x129x129xf32, #tpu.memory_space<hbm>> -> memref<1x32x1x129xf32, #tpu.memory_space<hbm>>
      %dma_start3A_187 = tpu.memref_squeeze %dma_start3A_186 : memref<1x32x1x129xf32, #tpu.memory_space<hbm>> -> memref<32x129xf32, #tpu.memory_space<hbm>>
      %dma_start3A_188 = arith.constant 0 : i32
      %dma_start3A_189 = arith.constant 0 : i32
      %dma_start3A_190 = tpu.memref_slice %arg9[%dma_start3A_175, %dma_start3A_188, %dma_start3A_189] : memref<2x32x129xf32, #tpu.memory_space<vmem>> -> memref<1x32x129xf32, #tpu.memory_space<vmem>>
      %dma_start3A_191 = tpu.memref_squeeze %dma_start3A_190 : memref<1x32x129xf32, #tpu.memory_space<vmem>> -> memref<32x129xf32, #tpu.memory_space<vmem>>
      tpu.enqueue_dma source(%dma_start3A_191 : memref<32x129xf32, #tpu.memory_space<vmem>>) target(%dma_start3A_187 : memref<32x129xf32, #tpu.memory_space<hbm>>) target_semaphore(%arg12 : memref<!tpu.dma_semaphore, #tpu.memory_space<semaphore_mem>>)
      %mul3A_192 = arith.constant 2 : i32
      %mul3A_193 = arith.muli %mul3A_192, %scan3A_103 : i32
      %add3A_194 = arith.constant 1 : i32
      %add3A_195 = arith.addi %mul3A_193, %add3A_194 : i32
      %mul3A_196 = arith.constant 32 : i32
      %mul3A_197 = arith.muli %select_n3A_30, %mul3A_196 : i32
      %add3A_198 = arith.addi %mul3A_197, %add3A_195 : i32
      %add3A_199 = arith.constant 1 : i32
      %add3A_200 = arith.addi %add3A_198, %add3A_199 : i32
      %add3A_201 = arith.addi %add3A_36, %add3A_195 : i32
      %dma_wait3A_202 = arith.constant 1 : i32
      %dma_wait3A_203 = arith.constant 0 : i32
      %dma_wait3A_204 = tpu.memref_slice %arg7[%dma_wait3A_202, %dma_wait3A_203] : memref<2x1024xi32, #tpu.memory_space<vmem>> -> memref<1x1024xi32, #tpu.memory_space<vmem>>
      %dma_wait3A_205 = tpu.memref_squeeze %dma_wait3A_204 : memref<1x1024xi32, #tpu.memory_space<vmem>> -> memref<1024xi32, #tpu.memory_space<vmem>>
      %dma_wait3A_206 = arith.constant 0 : i32
      %dma_wait3A_207 = tpu.memref_slice %arg3[%add3A_201, %dma_wait3A_206] : memref<1024x1024xi32, #tpu.memory_space<hbm>> -> memref<1x1024xi32, #tpu.memory_space<hbm>>
      %dma_wait3A_208 = tpu.memref_squeeze %dma_wait3A_207 : memref<1x1024xi32, #tpu.memory_space<hbm>> -> memref<1024xi32, #tpu.memory_space<hbm>>
      %dma_wait3A_209 = arith.constant 0 : i32
      %dma_wait3A_210 = tpu.memref_slice %arg7[%dma_wait3A_202, %dma_wait3A_209] : memref<2x1024xi32, #tpu.memory_space<vmem>> -> memref<1x1024xi32, #tpu.memory_space<vmem>>
      %dma_wait3A_211 = tpu.memref_squeeze %dma_wait3A_210 : memref<1x1024xi32, #tpu.memory_space<vmem>> -> memref<1024xi32, #tpu.memory_space<vmem>>
      %dma_wait3A_212 = arith.constant 0 : i32
      %dma_wait3A_213 = tpu.memref_slice %arg3[%add3A_201, %dma_wait3A_212] : memref<1024x1024xi32, #tpu.memory_space<hbm>> -> memref<1x1024xi32, #tpu.memory_space<hbm>>
      %dma_wait3A_214 = tpu.memref_squeeze %dma_wait3A_213 : memref<1x1024xi32, #tpu.memory_space<hbm>> -> memref<1024xi32, #tpu.memory_space<hbm>>
      tpu.wait_dma2 semaphore(%arg11 : memref<!tpu.dma_semaphore, #tpu.memory_space<semaphore_mem>>) src(%dma_wait3A_214 : memref<1024xi32, #tpu.memory_space<hbm>>) dst(%dma_wait3A_211 : memref<1024xi32, #tpu.memory_space<vmem>>)
      %lt3A_215 = arith.constant 15 : i32
      %lt3A_216 = arith.cmpi slt, %scan3A_103, %lt3A_215 : i32
      %convert_element_type3A_217 = arith.extui %lt3A_216 : i1 to i32
      %cond3A_218 = arith.constant 0 : i32
      %cond3A_219 = arith.cmpi ne, %convert_element_type3A_217, %cond3A_218 : i32
      scf.if %cond3A_219 {
        %add3A_273 = arith.addi %add3A_36, %add3A_195 : i32
        %add3A_274 = arith.constant 1 : i32
        %add3A_275 = arith.addi %add3A_273, %add3A_274 : i32
        %dma_start3A_276 = arith.constant 0 : i32
        %dma_start3A_277 = arith.constant 0 : i32
        %dma_start3A_278 = tpu.memref_slice %arg7[%dma_start3A_276, %dma_start3A_277] : memref<2x1024xi32, #tpu.memory_space<vmem>> -> memref<1x1024xi32, #tpu.memory_space<vmem>>
        %dma_start3A_279 = tpu.memref_squeeze %dma_start3A_278 : memref<1x1024xi32, #tpu.memory_space<vmem>> -> memref<1024xi32, #tpu.memory_space<vmem>>
        %dma_start3A_280 = arith.constant 0 : i32
        %dma_start3A_281 = tpu.memref_slice %arg3[%add3A_275, %dma_start3A_280] : memref<1024x1024xi32, #tpu.memory_space<hbm>> -> memref<1x1024xi32, #tpu.memory_space<hbm>>
        %dma_start3A_282 = tpu.memref_squeeze %dma_start3A_281 : memref<1x1024xi32, #tpu.memory_space<hbm>> -> memref<1024xi32, #tpu.memory_space<hbm>>
        %dma_start3A_283 = arith.constant 0 : i32
        %dma_start3A_284 = tpu.memref_slice %arg7[%dma_start3A_276, %dma_start3A_283] : memref<2x1024xi32, #tpu.memory_space<vmem>> -> memref<1x1024xi32, #tpu.memory_space<vmem>>
        %dma_start3A_285 = tpu.memref_squeeze %dma_start3A_284 : memref<1x1024xi32, #tpu.memory_space<vmem>> -> memref<1024xi32, #tpu.memory_space<vmem>>
        %dma_start3A_286 = arith.constant 0 : i32
        %dma_start3A_287 = tpu.memref_slice %arg3[%add3A_275, %dma_start3A_286] : memref<1024x1024xi32, #tpu.memory_space<hbm>> -> memref<1x1024xi32, #tpu.memory_space<hbm>>
        %dma_start3A_288 = tpu.memref_squeeze %dma_start3A_287 : memref<1x1024xi32, #tpu.memory_space<hbm>> -> memref<1024xi32, #tpu.memory_space<hbm>>
        tpu.enqueue_dma source(%dma_start3A_288 : memref<1024xi32, #tpu.memory_space<hbm>>) target(%dma_start3A_285 : memref<1024xi32, #tpu.memory_space<vmem>>) target_semaphore(%arg10 : memref<!tpu.dma_semaphore, #tpu.memory_space<semaphore_mem>>)
      } else {
      }
      %ge3A_220 = arith.constant 1 : i32
      %ge3A_221 = arith.cmpi sge, %scan3A_103, %ge3A_220 : i32
      %convert_element_type3A_222 = arith.extui %ge3A_221 : i1 to i32
      %cond3A_223 = arith.constant 0 : i32
      %cond3A_224 = arith.cmpi ne, %convert_element_type3A_222, %cond3A_223 : i32
      scf.if %cond3A_224 {
        %sub3A_273 = arith.constant 2 : i32
        %sub3A_274 = arith.subi %add3A_200, %sub3A_273 : i32
        %dma_wait3A_275 = arith.constant 1 : i32
        %dma_wait3A_276 = arith.constant 0 : i32
        %dma_wait3A_277 = arith.constant 0 : i32
        %dma_wait3A_278 = tpu.memref_slice %arg9[%dma_wait3A_275, %dma_wait3A_276, %dma_wait3A_277] : memref<2x32x129xf32, #tpu.memory_space<vmem>> -> memref<1x32x129xf32, #tpu.memory_space<vmem>>
        %dma_wait3A_279 = tpu.memref_squeeze %dma_wait3A_278 : memref<1x32x129xf32, #tpu.memory_space<vmem>> -> memref<32x129xf32, #tpu.memory_space<vmem>>
        %dma_wait3A_280 = arith.constant 0 : i32
        %dma_wait3A_281 = arith.constant 0 : i32
        %dma_wait3A_282 = tpu.memref_slice %arg5[%select_n3A, %dma_wait3A_280, %sub3A_274, %dma_wait3A_281] : memref<8x32x129x129xf32, #tpu.memory_space<hbm>> -> memref<1x32x1x129xf32, #tpu.memory_space<hbm>>
        %dma_wait3A_283 = tpu.memref_squeeze %dma_wait3A_282 : memref<1x32x1x129xf32, #tpu.memory_space<hbm>> -> memref<32x129xf32, #tpu.memory_space<hbm>>
        %dma_wait3A_284 = arith.constant 0 : i32
        %dma_wait3A_285 = arith.constant 0 : i32
        %dma_wait3A_286 = tpu.memref_slice %arg5[%select_n3A, %dma_wait3A_284, %sub3A_274, %dma_wait3A_285] : memref<8x32x129x129xf32, #tpu.memory_space<hbm>> -> memref<1x32x1x129xf32, #tpu.memory_space<hbm>>
        %dma_wait3A_287 = tpu.memref_squeeze %dma_wait3A_286 : memref<1x32x1x129xf32, #tpu.memory_space<hbm>> -> memref<32x129xf32, #tpu.memory_space<hbm>>
        %dma_wait3A_288 = arith.constant 0 : i32
        %dma_wait3A_289 = arith.constant 0 : i32
        %dma_wait3A_290 = tpu.memref_slice %arg9[%dma_wait3A_275, %dma_wait3A_288, %dma_wait3A_289] : memref<2x32x129xf32, #tpu.memory_space<vmem>> -> memref<1x32x129xf32, #tpu.memory_space<vmem>>
        %dma_wait3A_291 = tpu.memref_squeeze %dma_wait3A_290 : memref<1x32x129xf32, #tpu.memory_space<vmem>> -> memref<32x129xf32, #tpu.memory_space<vmem>>
        tpu.wait_dma2 semaphore(%arg13 : memref<!tpu.dma_semaphore, #tpu.memory_space<semaphore_mem>>) src(%dma_wait3A_291 : memref<32x129xf32, #tpu.memory_space<vmem>>) dst(%dma_wait3A_287 : memref<32x129xf32, #tpu.memory_space<hbm>>)
      } else {
      }
      %mul3A_225 = arith.constant 32 : i32
      %mul3A_226 = arith.muli %select_n3A_30, %mul3A_225 : i32
      %add3A_227 = arith.addi %mul3A_226, %add3A_195 : i32
      %add3A_228 = arith.constant 1 : i32
      %add3A_229 = arith.addi %add3A_227, %add3A_228 : i32
      %parallel_loop3A_230 = arith.constant 0 : i32
      %parallel_loop3A_231 = arith.constant 8 : i32
      %parallel_loop3A_232 = arith.constant 1 : i32
      %parallel_loop3A_233 = arith.constant 1 : i32
      scf.for %parallel_loop3A_273 = %parallel_loop3A_230 to %parallel_loop3A_231 step %parallel_loop3A_232  : i32 {
        %parallel_loop3A_274 = arith.constant 16 : i32
        %parallel_loop3A_275 = arith.muli %parallel_loop3A_273, %parallel_loop3A_274 : i32
        %parallel_loop3A_276 = arith.constant 0 : i32
        %parallel_loop3A_277 = arith.addi %parallel_loop3A_276, %parallel_loop3A_275 : i32
        %parallel_loop3A_278 = arith.constant 1 : i32
        %parallel_loop3A_279 = arith.index_cast %parallel_loop3A_278 : i32 to index
        %parallel_loop3A_280 = arith.index_cast %parallel_loop3A_277 : i32 to index
        %parallel_loop3A_281 = tpu.vector_load %arg7[%parallel_loop3A_279, %parallel_loop3A_280] {strides = array<i32>} : memref<2x1024xi32, #tpu.memory_space<vmem>>, vector<16xi32>,
        %parallel_loop3A_282 = arith.constant 16 : i32
        %parallel_loop3A_283 = arith.muli %parallel_loop3A_273, %parallel_loop3A_282 : i32
        %parallel_loop3A_284 = arith.constant 128 : i32
        %parallel_loop3A_285 = arith.addi %parallel_loop3A_284, %parallel_loop3A_283 : i32
        %parallel_loop3A_286 = arith.constant 1 : i32
        %parallel_loop3A_287 = arith.index_cast %parallel_loop3A_286 : i32 to index
        %parallel_loop3A_288 = arith.index_cast %parallel_loop3A_285 : i32 to index
        %parallel_loop3A_289 = tpu.vector_load %arg7[%parallel_loop3A_287, %parallel_loop3A_288] {strides = array<i32>} : memref<2x1024xi32, #tpu.memory_space<vmem>>, vector<16xi32>,
        %parallel_loop3A_290 = arith.constant 16 : i32
        %parallel_loop3A_291 = arith.muli %parallel_loop3A_273, %parallel_loop3A_290 : i32
        %parallel_loop3A_292 = arith.constant 256 : i32
        %parallel_loop3A_293 = arith.addi %parallel_loop3A_292, %parallel_loop3A_291 : i32
        %parallel_loop3A_294 = arith.constant 1 : i32
        %parallel_loop3A_295 = arith.index_cast %parallel_loop3A_294 : i32 to index
        %parallel_loop3A_296 = arith.index_cast %parallel_loop3A_293 : i32 to index
        %parallel_loop3A_297 = tpu.vector_load %arg7[%parallel_loop3A_295, %parallel_loop3A_296] {strides = array<i32>} : memref<2x1024xi32, #tpu.memory_space<vmem>>, vector<16xi32>,
        %parallel_loop3A_298 = arith.constant 16 : i32
        %parallel_loop3A_299 = arith.muli %parallel_loop3A_273, %parallel_loop3A_298 : i32
        %parallel_loop3A_300 = arith.constant 384 : i32
        %parallel_loop3A_301 = arith.addi %parallel_loop3A_300, %parallel_loop3A_299 : i32
        %parallel_loop3A_302 = arith.constant 1 : i32
        %parallel_loop3A_303 = arith.index_cast %parallel_loop3A_302 : i32 to index
        %parallel_loop3A_304 = arith.index_cast %parallel_loop3A_301 : i32 to index
        %parallel_loop3A_305 = tpu.vector_load %arg7[%parallel_loop3A_303, %parallel_loop3A_304] {strides = array<i32>} : memref<2x1024xi32, #tpu.memory_space<vmem>>, vector<16xi32>,
        %parallel_loop3A_306 = arith.constant 16 : i32
        %parallel_loop3A_307 = arith.muli %parallel_loop3A_273, %parallel_loop3A_306 : i32
        %parallel_loop3A_308 = arith.constant 512 : i32
        %parallel_loop3A_309 = arith.addi %parallel_loop3A_308, %parallel_loop3A_307 : i32
        %parallel_loop3A_310 = arith.constant 1 : i32
        %parallel_loop3A_311 = arith.index_cast %parallel_loop3A_310 : i32 to index
        %parallel_loop3A_312 = arith.index_cast %parallel_loop3A_309 : i32 to index
        %parallel_loop3A_313 = tpu.vector_load %arg7[%parallel_loop3A_311, %parallel_loop3A_312] {strides = array<i32>} : memref<2x1024xi32, #tpu.memory_space<vmem>>, vector<16xi32>,
        %parallel_loop3A_314 = arith.constant 16 : i32
        %parallel_loop3A_315 = arith.muli %parallel_loop3A_273, %parallel_loop3A_314 : i32
        %parallel_loop3A_316 = arith.constant 640 : i32
        %parallel_loop3A_317 = arith.addi %parallel_loop3A_316, %parallel_loop3A_315 : i32
        %parallel_loop3A_318 = arith.constant 1 : i32
        %parallel_loop3A_319 = arith.index_cast %parallel_loop3A_318 : i32 to index
        %parallel_loop3A_320 = arith.index_cast %parallel_loop3A_317 : i32 to index
        %parallel_loop3A_321 = tpu.vector_load %arg7[%parallel_loop3A_319, %parallel_loop3A_320] {strides = array<i32>} : memref<2x1024xi32, #tpu.memory_space<vmem>>, vector<16xi32>,
        %parallel_loop3A_322 = arith.constant 16 : i32
        %parallel_loop3A_323 = arith.muli %parallel_loop3A_273, %parallel_loop3A_322 : i32
        %parallel_loop3A_324 = arith.constant 768 : i32
        %parallel_loop3A_325 = arith.addi %parallel_loop3A_324, %parallel_loop3A_323 : i32
        %parallel_loop3A_326 = arith.constant 1 : i32
        %parallel_loop3A_327 = arith.index_cast %parallel_loop3A_326 : i32 to index
        %parallel_loop3A_328 = arith.index_cast %parallel_loop3A_325 : i32 to index
        %parallel_loop3A_329 = tpu.vector_load %arg7[%parallel_loop3A_327, %parallel_loop3A_328] {strides = array<i32>} : memref<2x1024xi32, #tpu.memory_space<vmem>>, vector<16xi32>,
        %parallel_loop3A_330 = arith.constant 16 : i32
        %parallel_loop3A_331 = arith.muli %parallel_loop3A_273, %parallel_loop3A_330 : i32
        %parallel_loop3A_332 = arith.constant 896 : i32
        %parallel_loop3A_333 = arith.addi %parallel_loop3A_332, %parallel_loop3A_331 : i32
        %parallel_loop3A_334 = arith.constant 1 : i32
        %parallel_loop3A_335 = arith.index_cast %parallel_loop3A_334 : i32 to index
        %parallel_loop3A_336 = arith.index_cast %parallel_loop3A_333 : i32 to index
        %parallel_loop3A_337 = tpu.vector_load %arg7[%parallel_loop3A_335, %parallel_loop3A_336] {strides = array<i32>} : memref<2x1024xi32, #tpu.memory_space<vmem>>, vector<16xi32>,
        %parallel_loop3A_338 = arith.constant 136 : i32
        %parallel_loop3A_339 = arith.muli %add3A_229, %parallel_loop3A_338 : i32
        %parallel_loop3A_340 = arith.constant 1 : i32
        %parallel_loop3A_341 = arith.addi %parallel_loop3A_339, %parallel_loop3A_340 : i32
        %parallel_loop3A_342 = arith.constant 16 : i32
        %parallel_loop3A_343 = arith.muli %parallel_loop3A_273, %parallel_loop3A_342 : i32
        %parallel_loop3A_344 = arith.addi %parallel_loop3A_341, %parallel_loop3A_343 : i32
        %parallel_loop3A_345 = arith.index_cast %parallel_loop3A_344 : i32 to index
        %parallel_loop3A_346 = tpu.vector_load %arg8[%parallel_loop3A_345] {strides = array<i32>} : memref<17544xf32, #tpu.memory_space<vmem>>, vector<16xf32>,
        %parallel_loop3A_347 = arith.constant 0 : i32
        %parallel_loop3A_348 = arith.constant 16 : i32
        %parallel_loop3A_349 = arith.constant 1 : i32
        scf.for %parallel_loop3A_350 = %parallel_loop3A_347 to %parallel_loop3A_348 step %parallel_loop3A_349  : i32 {
          %parallel_loop3A_351 = arith.constant 512 : i32
          %parallel_loop3A_352 = arith.muli %parallel_loop3A_350, %parallel_loop3A_351 : i32
          %parallel_loop3A_353 = vector.broadcast %parallel_loop3A_352 : i32 to vector<16xi32>
          %parallel_loop3A_354 = arith.addi %parallel_loop3A_281, %parallel_loop3A_353 : vector<16xi32>
          %parallel_loop3A_355 = tpu.vector_load_idx %arg6[%parallel_loop3A_354] : memref<8192xi32, #tpu.memory_space<vmem>>[vector<16xi32>], vector<16xi32>,
          %parallel_loop3A_356 = vector.bitcast %parallel_loop3A_355 : vector<16xi32> to vector<32xbf16>
          %parallel_loop3A_357 = arith.constant 512 : i32
          %parallel_loop3A_358 = arith.muli %parallel_loop3A_350, %parallel_loop3A_357 : i32
          %parallel_loop3A_359 = vector.broadcast %parallel_loop3A_358 : i32 to vector<16xi32>
          %parallel_loop3A_360 = arith.addi %parallel_loop3A_289, %parallel_loop3A_359 : vector<16xi32>
          %parallel_loop3A_361 = tpu.vector_load_idx %arg6[%parallel_loop3A_360] : memref<8192xi32, #tpu.memory_space<vmem>>[vector<16xi32>], vector<16xi32>,
          %parallel_loop3A_362 = vector.bitcast %parallel_loop3A_361 : vector<16xi32> to vector<32xbf16>
          %parallel_loop3A_363 = arith.constant 512 : i32
          %parallel_loop3A_364 = arith.muli %parallel_loop3A_350, %parallel_loop3A_363 : i32
          %parallel_loop3A_365 = vector.broadcast %parallel_loop3A_364 : i32 to vector<16xi32>
          %parallel_loop3A_366 = arith.addi %parallel_loop3A_297, %parallel_loop3A_365 : vector<16xi32>
          %parallel_loop3A_367 = tpu.vector_load_idx %arg6[%parallel_loop3A_366] : memref<8192xi32, #tpu.memory_space<vmem>>[vector<16xi32>], vector<16xi32>,
          %parallel_loop3A_368 = vector.bitcast %parallel_loop3A_367 : vector<16xi32> to vector<32xbf16>
          %parallel_loop3A_369 = arith.constant 512 : i32
          %parallel_loop3A_370 = arith.muli %parallel_loop3A_350, %parallel_loop3A_369 : i32
          %parallel_loop3A_371 = vector.broadcast %parallel_loop3A_370 : i32 to vector<16xi32>
          %parallel_loop3A_372 = arith.addi %parallel_loop3A_305, %parallel_loop3A_371 : vector<16xi32>
          %parallel_loop3A_373 = tpu.vector_load_idx %arg6[%parallel_loop3A_372] : memref<8192xi32, #tpu.memory_space<vmem>>[vector<16xi32>], vector<16xi32>,
          %parallel_loop3A_374 = vector.bitcast %parallel_loop3A_373 : vector<16xi32> to vector<32xbf16>
          %parallel_loop3A_375 = arith.constant 512 : i32
          %parallel_loop3A_376 = arith.muli %parallel_loop3A_350, %parallel_loop3A_375 : i32
          %parallel_loop3A_377 = vector.broadcast %parallel_loop3A_376 : i32 to vector<16xi32>
          %parallel_loop3A_378 = arith.addi %parallel_loop3A_313, %parallel_loop3A_377 : vector<16xi32>
          %parallel_loop3A_379 = tpu.vector_load_idx %arg6[%parallel_loop3A_378] : memref<8192xi32, #tpu.memory_space<vmem>>[vector<16xi32>], vector<16xi32>,
          %parallel_loop3A_380 = vector.bitcast %parallel_loop3A_379 : vector<16xi32> to vector<32xbf16>
          %parallel_loop3A_381 = arith.constant 512 : i32
          %parallel_loop3A_382 = arith.muli %parallel_loop3A_350, %parallel_loop3A_381 : i32
          %parallel_loop3A_383 = vector.broadcast %parallel_loop3A_382 : i32 to vector<16xi32>
          %parallel_loop3A_384 = arith.addi %parallel_loop3A_321, %parallel_loop3A_383 : vector<16xi32>
          %parallel_loop3A_385 = tpu.vector_load_idx %arg6[%parallel_loop3A_384] : memref<8192xi32, #tpu.memory_space<vmem>>[vector<16xi32>], vector<16xi32>,
          %parallel_loop3A_386 = vector.bitcast %parallel_loop3A_385 : vector<16xi32> to vector<32xbf16>
          %parallel_loop3A_387 = arith.constant 512 : i32
          %parallel_loop3A_388 = arith.muli %parallel_loop3A_350, %parallel_loop3A_387 : i32
          %parallel_loop3A_389 = vector.broadcast %parallel_loop3A_388 : i32 to vector<16xi32>
          %parallel_loop3A_390 = arith.addi %parallel_loop3A_329, %parallel_loop3A_389 : vector<16xi32>
          %parallel_loop3A_391 = tpu.vector_load_idx %arg6[%parallel_loop3A_390] : memref<8192xi32, #tpu.memory_space<vmem>>[vector<16xi32>], vector<16xi32>,
          %parallel_loop3A_392 = vector.bitcast %parallel_loop3A_391 : vector<16xi32> to vector<32xbf16>
          %parallel_loop3A_393 = arith.constant 512 : i32
          %parallel_loop3A_394 = arith.muli %parallel_loop3A_350, %parallel_loop3A_393 : i32
          %parallel_loop3A_395 = vector.broadcast %parallel_loop3A_394 : i32 to vector<16xi32>
          %parallel_loop3A_396 = arith.addi %parallel_loop3A_337, %parallel_loop3A_395 : vector<16xi32>
          %parallel_loop3A_397 = tpu.vector_load_idx %arg6[%parallel_loop3A_396] : memref<8192xi32, #tpu.memory_space<vmem>>[vector<16xi32>], vector<16xi32>,
          %parallel_loop3A_398 = vector.bitcast %parallel_loop3A_397 : vector<16xi32> to vector<32xbf16>
          %parallel_loop3A_399 = arith.addf %parallel_loop3A_356, %parallel_loop3A_362 : vector<32xbf16>
          %parallel_loop3A_400 = arith.addf %parallel_loop3A_368, %parallel_loop3A_374 : vector<32xbf16>
          %parallel_loop3A_401 = arith.addf %parallel_loop3A_399, %parallel_loop3A_400 : vector<32xbf16>
          %parallel_loop3A_402 = arith.addf %parallel_loop3A_380, %parallel_loop3A_386 : vector<32xbf16>
          %parallel_loop3A_403 = arith.addf %parallel_loop3A_392, %parallel_loop3A_398 : vector<32xbf16>
          %parallel_loop3A_404 = arith.addf %parallel_loop3A_402, %parallel_loop3A_403 : vector<32xbf16>
          %parallel_loop3A_405 = arith.addf %parallel_loop3A_401, %parallel_loop3A_404 : vector<32xbf16>
          %parallel_loop3A_406 = arith.mulf %parallel_loop3A_405, %broadcast_in_dim3A_31 : vector<32xbf16>
          %parallel_loop3A_407 = tpu.unpack_subelements %parallel_loop3A_406, 0 {pack_format = #tpu.pack_format<interleaved>} : vector<32xbf16> -> vector<16xf32>
          %parallel_loop3A_408 = tpu.unpack_subelements %parallel_loop3A_406, 1 {pack_format = #tpu.pack_format<interleaved>} : vector<32xbf16> -> vector<16xf32>
          %parallel_loop3A_409 = arith.constant 16 : i32
          %parallel_loop3A_410 = arith.muli %parallel_loop3A_273, %parallel_loop3A_409 : i32
          %parallel_loop3A_411 = arith.constant 1 : i32
          %parallel_loop3A_412 = arith.addi %parallel_loop3A_411, %parallel_loop3A_410 : i32
          %parallel_loop3A_413 = vector.broadcast %parallel_loop3A_412 : i32 to vector<16xi32>
          %parallel_loop3A_414 = arith.addi %iota3A, %parallel_loop3A_413 : vector<16xi32>
          %parallel_loop3A_415 = arith.constant 2 : i32
          %parallel_loop3A_416 = arith.muli %parallel_loop3A_415, %parallel_loop3A_350 : i32
          %parallel_loop3A_417 = vector.broadcast %parallel_loop3A_416 : i32 to vector<16xi32>
          %parallel_loop3A_418 = arith.addf %parallel_loop3A_407, %parallel_loop3A_346 : vector<16xf32>
          %parallel_loop3A_419 = arith.constant 0 : i32
          %parallel_loop3A_420 = arith.constant 0 : i32
          %parallel_loop3A_421 = tpu.memref_slice %arg9[%parallel_loop3A_233, %parallel_loop3A_419, %parallel_loop3A_420] : memref<2x32x129xf32, #tpu.memory_space<vmem>> -> memref<1x32x129xf32, #tpu.memory_space<vmem>>
          %parallel_loop3A_422 = tpu.memref_squeeze %parallel_loop3A_421 : memref<1x32x129xf32, #tpu.memory_space<vmem>> -> memref<32x129xf32, #tpu.memory_space<vmem>>
          tpu.vector_store_idx %parallel_loop3A_422[%parallel_loop3A_417, %parallel_loop3A_414], %parallel_loop3A_418 : memref<32x129xf32, #tpu.memory_space<vmem>>[vector<16xi32>, vector<16xi32>], vector<16xf32>,
          %parallel_loop3A_423 = arith.constant 2 : i32
          %parallel_loop3A_424 = arith.muli %parallel_loop3A_423, %parallel_loop3A_350 : i32
          %parallel_loop3A_425 = arith.constant 1 : i32
          %parallel_loop3A_426 = arith.addi %parallel_loop3A_424, %parallel_loop3A_425 : i32
          %parallel_loop3A_427 = vector.broadcast %parallel_loop3A_426 : i32 to vector<16xi32>
          %parallel_loop3A_428 = arith.addf %parallel_loop3A_408, %parallel_loop3A_346 : vector<16xf32>
          %parallel_loop3A_429 = arith.constant 0 : i32
          %parallel_loop3A_430 = arith.constant 0 : i32
          %parallel_loop3A_431 = tpu.memref_slice %arg9[%parallel_loop3A_233, %parallel_loop3A_429, %parallel_loop3A_430] : memref<2x32x129xf32, #tpu.memory_space<vmem>> -> memref<1x32x129xf32, #tpu.memory_space<vmem>>
          %parallel_loop3A_432 = tpu.memref_squeeze %parallel_loop3A_431 : memref<1x32x129xf32, #tpu.memory_space<vmem>> -> memref<32x129xf32, #tpu.memory_space<vmem>>
          tpu.vector_store_idx %parallel_loop3A_432[%parallel_loop3A_427, %parallel_loop3A_414], %parallel_loop3A_428 : memref<32x129xf32, #tpu.memory_space<vmem>>[vector<16xi32>, vector<16xi32>], vector<16xf32>,
        } {sc.loop_unroll_factor = 4 : i64, sc.parallel_access}
      } {sc.loop_unroll_factor = 1 : i64, sc.parallel_access}
      %mul3A_234 = arith.constant 136 : i32
      %mul3A_235 = arith.muli %add3A_229, %mul3A_234 : i32
      %broadcast_in_dim3A_236 = vector.broadcast %mul3A_235 : i32 to vector<16xi32>
      %gather3A_237 = tpu.vector_load_idx %arg8[%broadcast_in_dim3A_236] : memref<17544xf32, #tpu.memory_space<vmem>>[vector<16xi32>], vector<16xf32>,
      %broadcast_in_dim3A_238 = arith.constant 0 : i32
      %broadcast_in_dim3A_239 = vector.broadcast %broadcast_in_dim3A_238 : i32 to vector<16xi32>
      %scatter3A_240 = arith.constant 1 : i32
      %scatter3A_241 = arith.constant 0 : i32
      %scatter3A_242 = arith.constant 0 : i32
      %scatter3A_243 = tpu.memref_slice %arg9[%scatter3A_240, %scatter3A_241, %scatter3A_242] : memref<2x32x129xf32, #tpu.memory_space<vmem>> -> memref<1x32x129xf32, #tpu.memory_space<vmem>>
      %scatter3A_244 = tpu.memref_squeeze %scatter3A_243 : memref<1x32x129xf32, #tpu.memory_space<vmem>> -> memref<32x129xf32, #tpu.memory_space<vmem>>
      tpu.vector_store_idx %scatter3A_244[%iota3A, %broadcast_in_dim3A_239], %gather3A_237 : memref<32x129xf32, #tpu.memory_space<vmem>>[vector<16xi32>, vector<16xi32>], vector<16xf32>,
      %add3A_245 = arith.constant 16 : i32
      %add3A_246 = vector.broadcast %add3A_245 : i32 to vector<16xi32>
      %add3A_247 = arith.addi %iota3A, %add3A_246 : vector<16xi32>
      %broadcast_in_dim3A_248 = arith.constant 0 : i32
      %broadcast_in_dim3A_249 = vector.broadcast %broadcast_in_dim3A_248 : i32 to vector<16xi32>
      %scatter3A_250 = arith.constant 1 : i32
      %scatter3A_251 = arith.constant 0 : i32
      %scatter3A_252 = arith.constant 0 : i32
      %scatter3A_253 = tpu.memref_slice %arg9[%scatter3A_250, %scatter3A_251, %scatter3A_252] : memref<2x32x129xf32, #tpu.memory_space<vmem>> -> memref<1x32x129xf32, #tpu.memory_space<vmem>>
      %scatter3A_254 = tpu.memref_squeeze %scatter3A_253 : memref<1x32x129xf32, #tpu.memory_space<vmem>> -> memref<32x129xf32, #tpu.memory_space<vmem>>
      tpu.vector_store_idx %scatter3A_254[%add3A_247, %broadcast_in_dim3A_249], %gather3A_237 : memref<32x129xf32, #tpu.memory_space<vmem>>[vector<16xi32>, vector<16xi32>], vector<16xf32>,
      %dma_start3A_255 = arith.constant 1 : i32
      %dma_start3A_256 = arith.constant 0 : i32
      %dma_start3A_257 = arith.constant 0 : i32
      %dma_start3A_258 = tpu.memref_slice %arg9[%dma_start3A_255, %dma_start3A_256, %dma_start3A_257] : memref<2x32x129xf32, #tpu.memory_space<vmem>> -> memref<1x32x129xf32, #tpu.memory_space<vmem>>
      %dma_start3A_259 = tpu.memref_squeeze %dma_start3A_258 : memref<1x32x129xf32, #tpu.memory_space<vmem>> -> memref<32x129xf32, #tpu.memory_space<vmem>>
      %dma_start3A_260 = arith.constant 0 : i32
      %dma_start3A_261 = arith.constant 0 : i32
      %dma_start3A_262 = tpu.memref_slice %arg5[%select_n3A, %dma_start3A_260, %add3A_200, %dma_start3A_261] : memref<8x32x129x129xf32, #tpu.memory_space<hbm>> -> memref<1x32x1x129xf32, #tpu.memory_space<hbm>>
      %dma_start3A_263 = tpu.memref_squeeze %dma_start3A_262 : memref<1x32x1x129xf32, #tpu.memory_space<hbm>> -> memref<32x129xf32, #tpu.memory_space<hbm>>
      %dma_start3A_264 = arith.constant 0 : i32
      %dma_start3A_265 = arith.constant 0 : i32
      %dma_start3A_266 = tpu.memref_slice %arg5[%select_n3A, %dma_start3A_264, %add3A_200, %dma_start3A_265] : memref<8x32x129x129xf32, #tpu.memory_space<hbm>> -> memref<1x32x1x129xf32, #tpu.memory_space<hbm>>
      %dma_start3A_267 = tpu.memref_squeeze %dma_start3A_266 : memref<1x32x1x129xf32, #tpu.memory_space<hbm>> -> memref<32x129xf32, #tpu.memory_space<hbm>>
      %dma_start3A_268 = arith.constant 0 : i32
      %dma_start3A_269 = arith.constant 0 : i32
      %dma_start3A_270 = tpu.memref_slice %arg9[%dma_start3A_255, %dma_start3A_268, %dma_start3A_269] : memref<2x32x129xf32, #tpu.memory_space<vmem>> -> memref<1x32x129xf32, #tpu.memory_space<vmem>>
      %dma_start3A_271 = tpu.memref_squeeze %dma_start3A_270 : memref<1x32x129xf32, #tpu.memory_space<vmem>> -> memref<32x129xf32, #tpu.memory_space<vmem>>
      tpu.enqueue_dma source(%dma_start3A_271 : memref<32x129xf32, #tpu.memory_space<vmem>>) target(%dma_start3A_267 : memref<32x129xf32, #tpu.memory_space<hbm>>) target_semaphore(%arg13 : memref<!tpu.dma_semaphore, #tpu.memory_space<semaphore_mem>>)
      %scan3A_272 = arith.constant 0 : i32
      scf.yield %scan3A_272 : i32
    }
    %scan3A_54 = arith.constant 16 : i32
    %mul3A_55 = arith.constant 32 : i32
    %mul3A_56 = arith.muli %select_n3A_30, %mul3A_55 : i32
    %add3A_57 = arith.constant 31 : i32
    %add3A_58 = arith.addi %mul3A_56, %add3A_57 : i32
    %add3A_59 = arith.constant 0 : i32
    %add3A_60 = arith.addi %add3A_58, %add3A_59 : i32
    %dma_wait3A = arith.constant 0 : i32
    %dma_wait3A_61 = arith.constant 0 : i32
    %dma_wait3A_62 = arith.constant 0 : i32
    %dma_wait3A_63 = tpu.memref_slice %arg9[%dma_wait3A, %dma_wait3A_61, %dma_wait3A_62] : memref<2x32x129xf32, #tpu.memory_space<vmem>> -> memref<1x32x129xf32, #tpu.memory_space<vmem>>
    %dma_wait3A_64 = tpu.memref_squeeze %dma_wait3A_63 : memref<1x32x129xf32, #tpu.memory_space<vmem>> -> memref<32x129xf32, #tpu.memory_space<vmem>>
    %dma_wait3A_65 = arith.constant 0 : i32
    %dma_wait3A_66 = arith.constant 0 : i32
    %dma_wait3A_67 = tpu.memref_slice %arg5[%select_n3A, %dma_wait3A_65, %add3A_60, %dma_wait3A_66] : memref<8x32x129x129xf32, #tpu.memory_space<hbm>> -> memref<1x32x1x129xf32, #tpu.memory_space<hbm>>
    %dma_wait3A_68 = tpu.memref_squeeze %dma_wait3A_67 : memref<1x32x1x129xf32, #tpu.memory_space<hbm>> -> memref<32x129xf32, #tpu.memory_space<hbm>>
    %dma_wait3A_69 = arith.constant 0 : i32
    %dma_wait3A_70 = arith.constant 0 : i32
    %dma_wait3A_71 = tpu.memref_slice %arg5[%select_n3A, %dma_wait3A_69, %add3A_60, %dma_wait3A_70] : memref<8x32x129x129xf32, #tpu.memory_space<hbm>> -> memref<1x32x1x129xf32, #tpu.memory_space<hbm>>
    %dma_wait3A_72 = tpu.memref_squeeze %dma_wait3A_71 : memref<1x32x1x129xf32, #tpu.memory_space<hbm>> -> memref<32x129xf32, #tpu.memory_space<hbm>>
    %dma_wait3A_73 = arith.constant 0 : i32
    %dma_wait3A_74 = arith.constant 0 : i32
    %dma_wait3A_75 = tpu.memref_slice %arg9[%dma_wait3A, %dma_wait3A_73, %dma_wait3A_74] : memref<2x32x129xf32, #tpu.memory_space<vmem>> -> memref<1x32x129xf32, #tpu.memory_space<vmem>>
    %dma_wait3A_76 = tpu.memref_squeeze %dma_wait3A_75 : memref<1x32x129xf32, #tpu.memory_space<vmem>> -> memref<32x129xf32, #tpu.memory_space<vmem>>
    tpu.wait_dma2 semaphore(%arg12 : memref<!tpu.dma_semaphore, #tpu.memory_space<semaphore_mem>>) src(%dma_wait3A_76 : memref<32x129xf32, #tpu.memory_space<vmem>>) dst(%dma_wait3A_72 : memref<32x129xf32, #tpu.memory_space<hbm>>)
    %mul3A_77 = arith.constant 32 : i32
    %mul3A_78 = arith.muli %select_n3A_30, %mul3A_77 : i32
    %add3A_79 = arith.constant 31 : i32
    %add3A_80 = arith.addi %mul3A_78, %add3A_79 : i32
    %add3A_81 = arith.constant 1 : i32
    %add3A_82 = arith.addi %add3A_80, %add3A_81 : i32
    %dma_wait3A_83 = arith.constant 1 : i32
    %dma_wait3A_84 = arith.constant 0 : i32
    %dma_wait3A_85 = arith.constant 0 : i32
    %dma_wait3A_86 = tpu.memref_slice %arg9[%dma_wait3A_83, %dma_wait3A_84, %dma_wait3A_85] : memref<2x32x129xf32, #tpu.memory_space<vmem>> -> memref<1x32x129xf32, #tpu.memory_space<vmem>>
    %dma_wait3A_87 = tpu.memref_squeeze %dma_wait3A_86 : memref<1x32x129xf32, #tpu.memory_space<vmem>> -> memref<32x129xf32, #tpu.memory_space<vmem>>
    %dma_wait3A_88 = arith.constant 0 : i32
    %dma_wait3A_89 = arith.constant 0 : i32
    %dma_wait3A_90 = tpu.memref_slice %arg5[%select_n3A, %dma_wait3A_88, %add3A_82, %dma_wait3A_89] : memref<8x32x129x129xf32, #tpu.memory_space<hbm>> -> memref<1x32x1x129xf32, #tpu.memory_space<hbm>>
    %dma_wait3A_91 = tpu.memref_squeeze %dma_wait3A_90 : memref<1x32x1x129xf32, #tpu.memory_space<hbm>> -> memref<32x129xf32, #tpu.memory_space<hbm>>
    %dma_wait3A_92 = arith.constant 0 : i32
    %dma_wait3A_93 = arith.constant 0 : i32
    %dma_wait3A_94 = tpu.memref_slice %arg5[%select_n3A, %dma_wait3A_92, %add3A_82, %dma_wait3A_93] : memref<8x32x129x129xf32, #tpu.memory_space<hbm>> -> memref<1x32x1x129xf32, #tpu.memory_space<hbm>>
    %dma_wait3A_95 = tpu.memref_squeeze %dma_wait3A_94 : memref<1x32x1x129xf32, #tpu.memory_space<hbm>> -> memref<32x129xf32, #tpu.memory_space<hbm>>
    %dma_wait3A_96 = arith.constant 0 : i32
    %dma_wait3A_97 = arith.constant 0 : i32
    %dma_wait3A_98 = tpu.memref_slice %arg9[%dma_wait3A_83, %dma_wait3A_96, %dma_wait3A_97] : memref<2x32x129xf32, #tpu.memory_space<vmem>> -> memref<1x32x129xf32, #tpu.memory_space<vmem>>
    %dma_wait3A_99 = tpu.memref_squeeze %dma_wait3A_98 : memref<1x32x129xf32, #tpu.memory_space<vmem>> -> memref<32x129xf32, #tpu.memory_space<vmem>>
    tpu.wait_dma2 semaphore(%arg13 : memref<!tpu.dma_semaphore, #tpu.memory_space<semaphore_mem>>) src(%dma_wait3A_99 : memref<32x129xf32, #tpu.memory_space<vmem>>) dst(%dma_wait3A_95 : memref<32x129xf32, #tpu.memory_space<hbm>>)
    %eq3A_100 = arith.constant 0 : i32
    %eq3A_101 = arith.cmpi eq, %select_n3A_30, %eq3A_100 : i32
    %convert_element_type3A = arith.extui %eq3A_101 : i1 to i32
    %cond3A = arith.constant 0 : i32
    %cond3A_102 = arith.cmpi ne, %convert_element_type3A, %cond3A : i32
    scf.if %cond3A_102 {
      %scan3A_103 = arith.constant 0 : i32
      %scan3A_104 = arith.constant 0 : i32
      %scan3A_105 = arith.constant 32 : i32
      %scan3A_106 = arith.addi %scan3A_104, %scan3A_105 : i32
      %scan3A_107 = arith.constant 1 : i32
      %scan3A_108 = scf.for %scan3A_129 = %scan3A_104 to %scan3A_106 step %scan3A_107 iter_args(%scan3A_130 = %scan3A_103) -> (i32)  : i32 {
        %get3A = arith.constant 0 : index
        %get3A_131 = tpu.vector_load %arg8[%get3A] {strides = array<i32>} : memref<17544xf32, #tpu.memory_space<vmem>>, vector<16xf32>,
        %broadcast_in_dim3A_132 = vector.broadcast %scan3A_129 : i32 to vector<16xi32>
        %add3A_133 = arith.constant 0 : i32
        %add3A_134 = vector.broadcast %add3A_133 : i32 to vector<16xi32>
        %add3A_135 = arith.addi %iota3A, %add3A_134 : vector<16xi32>
        %scatter3A_136 = arith.constant 0 : i32
        %scatter3A_137 = arith.constant 0 : i32
        %scatter3A_138 = arith.constant 0 : i32
        %scatter3A_139 = tpu.memref_slice %arg9[%scatter3A_136, %scatter3A_137, %scatter3A_138] : memref<2x32x129xf32, #tpu.memory_space<vmem>> -> memref<1x32x129xf32, #tpu.memory_space<vmem>>
        %scatter3A_140 = tpu.memref_squeeze %scatter3A_139 : memref<1x32x129xf32, #tpu.memory_space<vmem>> -> memref<32x129xf32, #tpu.memory_space<vmem>>
        tpu.vector_store_idx %scatter3A_140[%broadcast_in_dim3A_132, %add3A_135], %get3A_131 : memref<32x129xf32, #tpu.memory_space<vmem>>[vector<16xi32>, vector<16xi32>], vector<16xf32>,
        %get3A_141 = arith.constant 16 : index
        %get3A_142 = tpu.vector_load %arg8[%get3A_141] {strides = array<i32>} : memref<17544xf32, #tpu.memory_space<vmem>>, vector<16xf32>,
        %broadcast_in_dim3A_143 = vector.broadcast %scan3A_129 : i32 to vector<16xi32>
        %add3A_144 = arith.constant 16 : i32
        %add3A_145 = vector.broadcast %add3A_144 : i32 to vector<16xi32>
        %add3A_146 = arith.addi %iota3A, %add3A_145 : vector<16xi32>
        %scatter3A_147 = arith.constant 0 : i32
        %scatter3A_148 = arith.constant 0 : i32
        %scatter3A_149 = arith.constant 0 : i32
        %scatter3A_150 = tpu.memref_slice %arg9[%scatter3A_147, %scatter3A_148, %scatter3A_149] : memref<2x32x129xf32, #tpu.memory_space<vmem>> -> memref<1x32x129xf32, #tpu.memory_space<vmem>>
        %scatter3A_151 = tpu.memref_squeeze %scatter3A_150 : memref<1x32x129xf32, #tpu.memory_space<vmem>> -> memref<32x129xf32, #tpu.memory_space<vmem>>
        tpu.vector_store_idx %scatter3A_151[%broadcast_in_dim3A_143, %add3A_146], %get3A_142 : memref<32x129xf32, #tpu.memory_space<vmem>>[vector<16xi32>, vector<16xi32>], vector<16xf32>,
        %get3A_152 = arith.constant 32 : index
        %get3A_153 = tpu.vector_load %arg8[%get3A_152] {strides = array<i32>} : memref<17544xf32, #tpu.memory_space<vmem>>, vector<16xf32>,
        %broadcast_in_dim3A_154 = vector.broadcast %scan3A_129 : i32 to vector<16xi32>
        %add3A_155 = arith.constant 32 : i32
        %add3A_156 = vector.broadcast %add3A_155 : i32 to vector<16xi32>
        %add3A_157 = arith.addi %iota3A, %add3A_156 : vector<16xi32>
        %scatter3A_158 = arith.constant 0 : i32
        %scatter3A_159 = arith.constant 0 : i32
        %scatter3A_160 = arith.constant 0 : i32
        %scatter3A_161 = tpu.memref_slice %arg9[%scatter3A_158, %scatter3A_159, %scatter3A_160] : memref<2x32x129xf32, #tpu.memory_space<vmem>> -> memref<1x32x129xf32, #tpu.memory_space<vmem>>
        %scatter3A_162 = tpu.memref_squeeze %scatter3A_161 : memref<1x32x129xf32, #tpu.memory_space<vmem>> -> memref<32x129xf32, #tpu.memory_space<vmem>>
        tpu.vector_store_idx %scatter3A_162[%broadcast_in_dim3A_154, %add3A_157], %get3A_153 : memref<32x129xf32, #tpu.memory_space<vmem>>[vector<16xi32>, vector<16xi32>], vector<16xf32>,
        %get3A_163 = arith.constant 48 : index
        %get3A_164 = tpu.vector_load %arg8[%get3A_163] {strides = array<i32>} : memref<17544xf32, #tpu.memory_space<vmem>>, vector<16xf32>,
        %broadcast_in_dim3A_165 = vector.broadcast %scan3A_129 : i32 to vector<16xi32>
        %add3A_166 = arith.constant 48 : i32
        %add3A_167 = vector.broadcast %add3A_166 : i32 to vector<16xi32>
        %add3A_168 = arith.addi %iota3A, %add3A_167 : vector<16xi32>
        %scatter3A_169 = arith.constant 0 : i32
        %scatter3A_170 = arith.constant 0 : i32
        %scatter3A_171 = arith.constant 0 : i32
        %scatter3A_172 = tpu.memref_slice %arg9[%scatter3A_169, %scatter3A_170, %scatter3A_171] : memref<2x32x129xf32, #tpu.memory_space<vmem>> -> memref<1x32x129xf32, #tpu.memory_space<vmem>>
        %scatter3A_173 = tpu.memref_squeeze %scatter3A_172 : memref<1x32x129xf32, #tpu.memory_space<vmem>> -> memref<32x129xf32, #tpu.memory_space<vmem>>
        tpu.vector_store_idx %scatter3A_173[%broadcast_in_dim3A_165, %add3A_168], %get3A_164 : memref<32x129xf32, #tpu.memory_space<vmem>>[vector<16xi32>, vector<16xi32>], vector<16xf32>,
        %get3A_174 = arith.constant 64 : index
        %get3A_175 = tpu.vector_load %arg8[%get3A_174] {strides = array<i32>} : memref<17544xf32, #tpu.memory_space<vmem>>, vector<16xf32>,
        %broadcast_in_dim3A_176 = vector.broadcast %scan3A_129 : i32 to vector<16xi32>
        %add3A_177 = arith.constant 64 : i32
        %add3A_178 = vector.broadcast %add3A_177 : i32 to vector<16xi32>
        %add3A_179 = arith.addi %iota3A, %add3A_178 : vector<16xi32>
        %scatter3A_180 = arith.constant 0 : i32
        %scatter3A_181 = arith.constant 0 : i32
        %scatter3A_182 = arith.constant 0 : i32
        %scatter3A_183 = tpu.memref_slice %arg9[%scatter3A_180, %scatter3A_181, %scatter3A_182] : memref<2x32x129xf32, #tpu.memory_space<vmem>> -> memref<1x32x129xf32, #tpu.memory_space<vmem>>
        %scatter3A_184 = tpu.memref_squeeze %scatter3A_183 : memref<1x32x129xf32, #tpu.memory_space<vmem>> -> memref<32x129xf32, #tpu.memory_space<vmem>>
        tpu.vector_store_idx %scatter3A_184[%broadcast_in_dim3A_176, %add3A_179], %get3A_175 : memref<32x129xf32, #tpu.memory_space<vmem>>[vector<16xi32>, vector<16xi32>], vector<16xf32>,
        %get3A_185 = arith.constant 80 : index
        %get3A_186 = tpu.vector_load %arg8[%get3A_185] {strides = array<i32>} : memref<17544xf32, #tpu.memory_space<vmem>>, vector<16xf32>,
        %broadcast_in_dim3A_187 = vector.broadcast %scan3A_129 : i32 to vector<16xi32>
        %add3A_188 = arith.constant 80 : i32
        %add3A_189 = vector.broadcast %add3A_188 : i32 to vector<16xi32>
        %add3A_190 = arith.addi %iota3A, %add3A_189 : vector<16xi32>
        %scatter3A_191 = arith.constant 0 : i32
        %scatter3A_192 = arith.constant 0 : i32
        %scatter3A_193 = arith.constant 0 : i32
        %scatter3A_194 = tpu.memref_slice %arg9[%scatter3A_191, %scatter3A_192, %scatter3A_193] : memref<2x32x129xf32, #tpu.memory_space<vmem>> -> memref<1x32x129xf32, #tpu.memory_space<vmem>>
        %scatter3A_195 = tpu.memref_squeeze %scatter3A_194 : memref<1x32x129xf32, #tpu.memory_space<vmem>> -> memref<32x129xf32, #tpu.memory_space<vmem>>
        tpu.vector_store_idx %scatter3A_195[%broadcast_in_dim3A_187, %add3A_190], %get3A_186 : memref<32x129xf32, #tpu.memory_space<vmem>>[vector<16xi32>, vector<16xi32>], vector<16xf32>,
        %get3A_196 = arith.constant 96 : index
        %get3A_197 = tpu.vector_load %arg8[%get3A_196] {strides = array<i32>} : memref<17544xf32, #tpu.memory_space<vmem>>, vector<16xf32>,
        %broadcast_in_dim3A_198 = vector.broadcast %scan3A_129 : i32 to vector<16xi32>
        %add3A_199 = arith.constant 96 : i32
        %add3A_200 = vector.broadcast %add3A_199 : i32 to vector<16xi32>
        %add3A_201 = arith.addi %iota3A, %add3A_200 : vector<16xi32>
        %scatter3A_202 = arith.constant 0 : i32
        %scatter3A_203 = arith.constant 0 : i32
        %scatter3A_204 = arith.constant 0 : i32
        %scatter3A_205 = tpu.memref_slice %arg9[%scatter3A_202, %scatter3A_203, %scatter3A_204] : memref<2x32x129xf32, #tpu.memory_space<vmem>> -> memref<1x32x129xf32, #tpu.memory_space<vmem>>
        %scatter3A_206 = tpu.memref_squeeze %scatter3A_205 : memref<1x32x129xf32, #tpu.memory_space<vmem>> -> memref<32x129xf32, #tpu.memory_space<vmem>>
        tpu.vector_store_idx %scatter3A_206[%broadcast_in_dim3A_198, %add3A_201], %get3A_197 : memref<32x129xf32, #tpu.memory_space<vmem>>[vector<16xi32>, vector<16xi32>], vector<16xf32>,
        %get3A_207 = arith.constant 112 : index
        %get3A_208 = tpu.vector_load %arg8[%get3A_207] {strides = array<i32>} : memref<17544xf32, #tpu.memory_space<vmem>>, vector<16xf32>,
        %broadcast_in_dim3A_209 = vector.broadcast %scan3A_129 : i32 to vector<16xi32>
        %add3A_210 = arith.constant 112 : i32
        %add3A_211 = vector.broadcast %add3A_210 : i32 to vector<16xi32>
        %add3A_212 = arith.addi %iota3A, %add3A_211 : vector<16xi32>
        %scatter3A_213 = arith.constant 0 : i32
        %scatter3A_214 = arith.constant 0 : i32
        %scatter3A_215 = arith.constant 0 : i32
        %scatter3A_216 = tpu.memref_slice %arg9[%scatter3A_213, %scatter3A_214, %scatter3A_215] : memref<2x32x129xf32, #tpu.memory_space<vmem>> -> memref<1x32x129xf32, #tpu.memory_space<vmem>>
        %scatter3A_217 = tpu.memref_squeeze %scatter3A_216 : memref<1x32x129xf32, #tpu.memory_space<vmem>> -> memref<32x129xf32, #tpu.memory_space<vmem>>
        tpu.vector_store_idx %scatter3A_217[%broadcast_in_dim3A_209, %add3A_212], %get3A_208 : memref<32x129xf32, #tpu.memory_space<vmem>>[vector<16xi32>, vector<16xi32>], vector<16xf32>,
        %scan3A_218 = arith.constant 0 : i32
        scf.yield %scan3A_218 : i32
      }
      %scan3A_109 = arith.constant 32 : i32
      %broadcast_in_dim3A_110 = arith.constant 128 : i32
      %broadcast_in_dim3A_111 = vector.broadcast %broadcast_in_dim3A_110 : i32 to vector<16xi32>
      %gather3A = tpu.vector_load_idx %arg8[%broadcast_in_dim3A_111] : memref<17544xf32, #tpu.memory_space<vmem>>[vector<16xi32>], vector<16xf32>,
      %broadcast_in_dim3A_112 = arith.constant 128 : i32
      %broadcast_in_dim3A_113 = vector.broadcast %broadcast_in_dim3A_112 : i32 to vector<16xi32>
      %scatter3A = arith.constant 0 : i32
      %scatter3A_114 = arith.constant 0 : i32
      %scatter3A_115 = arith.constant 0 : i32
      %scatter3A_116 = tpu.memref_slice %arg9[%scatter3A, %scatter3A_114, %scatter3A_115] : memref<2x32x129xf32, #tpu.memory_space<vmem>> -> memref<1x32x129xf32, #tpu.memory_space<vmem>>
      %scatter3A_117 = tpu.memref_squeeze %scatter3A_116 : memref<1x32x129xf32, #tpu.memory_space<vmem>> -> memref<32x129xf32, #tpu.memory_space<vmem>>
      tpu.vector_store_idx %scatter3A_117[%iota3A, %broadcast_in_dim3A_113], %gather3A : memref<32x129xf32, #tpu.memory_space<vmem>>[vector<16xi32>, vector<16xi32>], vector<16xf32>,
      %add3A_118 = arith.constant 16 : i32
      %add3A_119 = vector.broadcast %add3A_118 : i32 to vector<16xi32>
      %add3A_120 = arith.addi %iota3A, %add3A_119 : vector<16xi32>
      %broadcast_in_dim3A_121 = arith.constant 128 : i32
      %broadcast_in_dim3A_122 = vector.broadcast %broadcast_in_dim3A_121 : i32 to vector<16xi32>
      %scatter3A_123 = arith.constant 0 : i32
      %scatter3A_124 = arith.constant 0 : i32
      %scatter3A_125 = arith.constant 0 : i32
      %scatter3A_126 = tpu.memref_slice %arg9[%scatter3A_123, %scatter3A_124, %scatter3A_125] : memref<2x32x129xf32, #tpu.memory_space<vmem>> -> memref<1x32x129xf32, #tpu.memory_space<vmem>>
      %scatter3A_127 = tpu.memref_squeeze %scatter3A_126 : memref<1x32x129xf32, #tpu.memory_space<vmem>> -> memref<32x129xf32, #tpu.memory_space<vmem>>
      tpu.vector_store_idx %scatter3A_127[%add3A_120, %broadcast_in_dim3A_122], %gather3A : memref<32x129xf32, #tpu.memory_space<vmem>>[vector<16xi32>, vector<16xi32>], vector<16xf32>,
      %run_scoped3A = arith.constant 0 : i32
      %run_scoped3A_128 = arith.constant 0 : i32
      "tpu.region"() ({
        %run_scoped3A_129 = tpu.sem_alloc : memref<!tpu.dma_semaphore, #tpu.memory_space<semaphore_mem>>
        %dma_start3A_130 = arith.constant 0 : i32
        %dma_start3A_131 = arith.constant 0 : i32
        %dma_start3A_132 = tpu.memref_slice %arg9[%run_scoped3A, %dma_start3A_130, %dma_start3A_131] : memref<2x32x129xf32, #tpu.memory_space<vmem>> -> memref<1x32x129xf32, #tpu.memory_space<vmem>>
        %dma_start3A_133 = tpu.memref_squeeze %dma_start3A_132 : memref<1x32x129xf32, #tpu.memory_space<vmem>> -> memref<32x129xf32, #tpu.memory_space<vmem>>
        %dma_start3A_134 = arith.constant 0 : i32
        %dma_start3A_135 = arith.constant 0 : i32
        %dma_start3A_136 = tpu.memref_slice %arg5[%select_n3A, %dma_start3A_134, %run_scoped3A_128, %dma_start3A_135] : memref<8x32x129x129xf32, #tpu.memory_space<hbm>> -> memref<1x32x1x129xf32, #tpu.memory_space<hbm>>
        %dma_start3A_137 = tpu.memref_squeeze %dma_start3A_136 : memref<1x32x1x129xf32, #tpu.memory_space<hbm>> -> memref<32x129xf32, #tpu.memory_space<hbm>>
        %dma_start3A_138 = arith.constant 0 : i32
        %dma_start3A_139 = arith.constant 0 : i32
        %dma_start3A_140 = tpu.memref_slice %arg5[%select_n3A, %dma_start3A_138, %run_scoped3A_128, %dma_start3A_139] : memref<8x32x129x129xf32, #tpu.memory_space<hbm>> -> memref<1x32x1x129xf32, #tpu.memory_space<hbm>>
        %dma_start3A_141 = tpu.memref_squeeze %dma_start3A_140 : memref<1x32x1x129xf32, #tpu.memory_space<hbm>> -> memref<32x129xf32, #tpu.memory_space<hbm>>
        %dma_start3A_142 = arith.constant 0 : i32
        %dma_start3A_143 = arith.constant 0 : i32
        %dma_start3A_144 = tpu.memref_slice %arg9[%run_scoped3A, %dma_start3A_142, %dma_start3A_143] : memref<2x32x129xf32, #tpu.memory_space<vmem>> -> memref<1x32x129xf32, #tpu.memory_space<vmem>>
        %dma_start3A_145 = tpu.memref_squeeze %dma_start3A_144 : memref<1x32x129xf32, #tpu.memory_space<vmem>> -> memref<32x129xf32, #tpu.memory_space<vmem>>
        tpu.enqueue_dma source(%dma_start3A_145 : memref<32x129xf32, #tpu.memory_space<vmem>>) target(%dma_start3A_141 : memref<32x129xf32, #tpu.memory_space<hbm>>) target_semaphore(%run_scoped3A_129 : memref<!tpu.dma_semaphore, #tpu.memory_space<semaphore_mem>>)
        %dma_wait3A_146 = arith.constant 0 : i32
        %dma_wait3A_147 = arith.constant 0 : i32
        %dma_wait3A_148 = tpu.memref_slice %arg9[%run_scoped3A, %dma_wait3A_146, %dma_wait3A_147] : memref<2x32x129xf32, #tpu.memory_space<vmem>> -> memref<1x32x129xf32, #tpu.memory_space<vmem>>
        %dma_wait3A_149 = tpu.memref_squeeze %dma_wait3A_148 : memref<1x32x129xf32, #tpu.memory_space<vmem>> -> memref<32x129xf32, #tpu.memory_space<vmem>>
        %dma_wait3A_150 = arith.constant 0 : i32
        %dma_wait3A_151 = arith.constant 0 : i32
        %dma_wait3A_152 = tpu.memref_slice %arg5[%select_n3A, %dma_wait3A_150, %run_scoped3A_128, %dma_wait3A_151] : memref<8x32x129x129xf32, #tpu.memory_space<hbm>> -> memref<1x32x1x129xf32, #tpu.memory_space<hbm>>
        %dma_wait3A_153 = tpu.memref_squeeze %dma_wait3A_152 : memref<1x32x1x129xf32, #tpu.memory_space<hbm>> -> memref<32x129xf32, #tpu.memory_space<hbm>>
        %dma_wait3A_154 = arith.constant 0 : i32
        %dma_wait3A_155 = arith.constant 0 : i32
        %dma_wait3A_156 = tpu.memref_slice %arg5[%select_n3A, %dma_wait3A_154, %run_scoped3A_128, %dma_wait3A_155] : memref<8x32x129x129xf32, #tpu.memory_space<hbm>> -> memref<1x32x1x129xf32, #tpu.memory_space<hbm>>
        %dma_wait3A_157 = tpu.memref_squeeze %dma_wait3A_156 : memref<1x32x1x129xf32, #tpu.memory_space<hbm>> -> memref<32x129xf32, #tpu.memory_space<hbm>>
        %dma_wait3A_158 = arith.constant 0 : i32
        %dma_wait3A_159 = arith.constant 0 : i32
        %dma_wait3A_160 = tpu.memref_slice %arg9[%run_scoped3A, %dma_wait3A_158, %dma_wait3A_159] : memref<2x32x129xf32, #tpu.memory_space<vmem>> -> memref<1x32x129xf32, #tpu.memory_space<vmem>>
        %dma_wait3A_161 = tpu.memref_squeeze %dma_wait3A_160 : memref<1x32x129xf32, #tpu.memory_space<vmem>> -> memref<32x129xf32, #tpu.memory_space<vmem>>
        tpu.wait_dma2 semaphore(%run_scoped3A_129 : memref<!tpu.dma_semaphore, #tpu.memory_space<semaphore_mem>>) src(%dma_wait3A_161 : memref<32x129xf32, #tpu.memory_space<vmem>>) dst(%dma_wait3A_157 : memref<32x129xf32, #tpu.memory_space<hbm>>)
        tpu.yield
      }) : () -> ()
    } else {
    }
    return
  }
}

</mosaic_0001>

<sc_bundles>
// kernel: _sc_full.3.cloned.1.call-start
scs
__scs_entry_jumppad:
0x0: {  	(pc) =	sbr.rel $0x88, $3  }
0x1: {  	(tag) =	ssettag $0x0;
	lr =	simm.s32 $0x1  }
0x2: {  	[smem:$0x3F9E] =	sst lr;
	_ =	strace $0xD0000000  }
0x3: {  	_ = 	snop  }
0x4: {  	_ = 	snop  }
0x5: {  	_ = 	snop  }
0x6: {  	_ = 	snop  }
0x7: {  	_ = 	snop  }
__scs_overlays_trampoline_lowered:
0x8: {  	[smem:$0x3FAD] =	sst s0  }
0x9: {  	[smem:$0x3FAE] =	sst s1  }
0xa: {  	[smem:$0x3FAF] =	sst s2  }
0xb: {  	[smem:$0x3FB0] =	sst s3  }
0xc: {  	[smem:$0x3FB1] =	sst s4  }
0xd: {  	[smem:$0x3FB2] =	sst s5  }
0xe: {  	[smem:$0x3FB3] =	sst s6  }
0xf: {  	[smem:$0x3FB4] =	sst s7  }
0x10: {  	[smem:$0x3FB5] =	sst s8  }
0x11: {  	[smem:$0x3FB6] =	sst s9;
	s0 =	simm.s32 @!p0 $0x0  }
0x12: {  	s1 =	sld [smem:$0x3F9C];
	s0 =	simm.s32 @p0 $0x1  }
0x13: {  	[smem:$0x3FB7] =	sst s0;
	s0 =	simm.s32 @!p1 $0x0  }
0x14: {  	s2 =	sld [smem:$0x3F9B];
	s0 =	simm.s32 @p1 $0x1  }
0x15: {  	[smem:$0x3FB8] =	sst s0;
	s0 =	simm.s32 @!p2 $0x0  }
0x16: {  	s3 =	sld [smem:$0x3FDB];
	s0 =	simm.s32 @p2 $0x1  }
0x17: {  	s4 =	simm.s32 $0x1BF5;
	[smem:$0x3FBA] =	sst s0  }
0x18: {  	s0 =	sld [smem:$0x3F9D];
	_ =	swait.ge [sflag:s4], $0x0  }
0x19: {  	s7 =	sld [smem:$0x3F9E]  }
0x1a: {  	s8 =	sadd.s32 $0xFFFFE003, lr  }
0x1b: {  	s9 =	sadd.s32 $0xFFFFFEF7, lr;
	s5 =	simm.s32 $0xFFFFFFFF;
	p2 =	slt.u32 s8, $0xFFFFF086  }
0x1c: {  	p1 =	slt.u32 s9, $0xF7A;
	s5 =	simm.s32 @!p2 $0x0  }
0x1d: {  	s5 =	simm.s32 @p1 $0x1;
	p0 =	seq.s32 s7, s2  }
0x1e: {  	s7 =	smul.u32 @!p0 $0xF7A, s2;
	p2 =	seq.s32 @!p0 s5, $0x0  }
0x1f: {  	s9 =	smul.u32 $0xF7A, s1;
	s8 =	simm.s32 @!p0 $0x1BF5;
	p2 =	por !p2, p0  }
0x20: {  	[sflag:s8] =	ssyncset.s32 @!p0 $0xFFFFF086;
	s6 =	sadd.s32 @!p0 s3, s7;
	s7 =	simm.s32 @!p0 $0x108  }
0x21: {  	s3 =	sadd.s32 s3, s9;
	s6 =	sadd.s32 @!p0 $0x88, s6;
	s7 =	simm.s32 @p2 $0x1082  }
0x22: {  	[simem:s7], [sflag:s8] =	dma.local @!p0 [hbm:s6], $0xF7A  }
0x23: {  	s9 =	sor.u32 $0xD0000000, s2;
	s6 =	simm.s32 $0x108;
	_ =	swait.ge @!p0 [sflag:s8], $0x0  }
0x24: {  	s3 =	sadd.s32 $0x88, s3;
	s6 =	simm.s32 @!p1 $0x1082;
	[sflag:s4] =	ssyncset.s32 $0xFFFFF086  }
0x25: {  	[simem:s6], [sflag:s4] =	dma.local [hbm:s3], $0xF7A  }
0x26: {  	[smem:$0x3F9E] =	sst s1;
	(tag) =	ssettag s2;
	_ =	strace s9  }
0x27: {  	s1 =	sld [smem:$0x3FAE]  }
0x28: {  	s2 =	sld [smem:$0x3FAF]  }
0x29: {  	s4 =	sld [smem:$0x3FB1]  }
0x2a: {  	p0 =	seq.s32 s5, $0x0;
	s5 =	sld [smem:$0x3FB2]  }
0x2b: {  	s6 =	sld [smem:$0x3FB3]  }
0x2c: {  	s7 =	sld [smem:$0x3FB4]  }
0x2d: {  	s3 =	simm.s32 $0x108;
	s8 =	sld [smem:$0x3FB5]  }
0x2e: {  	s3 =	simm.s32 @!p0 $0x1082;
	s9 =	sld [smem:$0x3FB6]  }
0x2f: {  	lr =	sadd.s32 s0, s3;
	s0 =	sld [smem:$0x3FAD]  }
0x30: {  	s3 =	sld [smem:$0x3FB0]  }
0x31: {  	[smem:$0x3FB9] =	sst s10  }
0x32: {  	s10 =	sld [smem:$0x3FB7];
	_ =	sdelay $0x3  }
0x33: {  	p0 =	seq.s32 s10, $0x1;
	s10 =	sld [smem:$0x3FB9];
	_ =	sdelay $0x3  }
0x34: {  	[smem:$0x3FB9] =	sst s10  }
0x35: {  	s10 =	sld [smem:$0x3FB8];
	_ =	sdelay $0x3  }
0x36: {  	p1 =	seq.s32 s10, $0x1;
	s10 =	sld [smem:$0x3FB9];
	_ =	sdelay $0x3  }
0x37: {  	[smem:$0x3FB9] =	sst s10  }
0x38: {  	s10 =	sld [smem:$0x3FBA]  }
0x39: {  	_ = 	snop;
	(pc) =	sbr.ind lr, $3  }
0x3a: {  	_ = 	snop  }
0x3b: {  	_ = 	snop  }
0x3c: {  	p2 =	seq.s32 s10, $0x1;
	s10 =	sld [smem:$0x3FB9]  }
0x3d: {  	_ =	shalt  }
0x3e: {  	_ =	shalt  }
0x3f: {  	_ =	shalt  }
0x40: {  	_ =	shalt  }
0x41: {  	_ =	shalt  }
0x42: {  	_ =	shalt  }
0x43: {  	_ =	shalt  }
0x44: {  	_ =	shalt  }
0x45: {  	_ =	shalt  }
0x46: {  	_ =	shalt  }
0x47: {  	_ =	shalt  }
0x48: {  	_ =	shalt  }
0x49: {  	_ =	shalt  }
0x4a: {  	_ =	shalt  }
0x4b: {  	_ =	shalt  }
0x4c: {  	_ =	shalt  }
0x4d: {  	_ =	shalt  }
0x4e: {  	_ =	shalt  }
0x4f: {  	_ =	shalt  }
0x50: {  	_ =	shalt  }
0x51: {  	_ =	shalt  }
0x52: {  	_ =	shalt  }
0x53: {  	_ =	shalt  }
0x54: {  	_ =	shalt  }
0x55: {  	_ =	shalt  }
0x56: {  	_ =	shalt  }
0x57: {  	_ =	shalt  }
0x58: {  	_ =	shalt  }
0x59: {  	_ =	shalt  }
0x5a: {  	_ =	shalt  }
0x5b: {  	_ =	shalt  }
0x5c: {  	_ =	shalt  }
0x5d: {  	_ =	shalt  }
0x5e: {  	_ =	shalt  }
0x5f: {  	_ =	shalt  }
0x60: {  	_ =	shalt  }
0x61: {  	_ =	shalt  }
0x62: {  	_ =	shalt  }
0x63: {  	_ =	shalt  }
0x64: {  	_ =	shalt  }
0x65: {  	_ =	shalt  }
0x66: {  	_ =	shalt  }
0x67: {  	_ =	shalt  }
0x68: {  	_ =	shalt  }
0x69: {  	_ =	shalt  }
0x6a: {  	_ =	shalt  }
0x6b: {  	_ =	shalt  }
0x6c: {  	_ =	shalt  }
0x6d: {  	_ =	shalt  }
0x6e: {  	_ =	shalt  }
0x6f: {  	_ =	shalt  }
0x70: {  	_ =	shalt  }
0x71: {  	_ =	shalt  }
0x72: {  	_ =	shalt  }
0x73: {  	_ =	shalt  }
0x74: {  	_ =	shalt  }
0x75: {  	_ =	shalt  }
0x76: {  	_ =	shalt  }
0x77: {  	_ =	shalt  }
0x78: {  	_ =	shalt  }
0x79: {  	_ =	shalt  }
0x7a: {  	_ =	shalt  }
0x7b: {  	_ =	shalt  }
0x7c: {  	_ =	shalt  }
0x7d: {  	_ =	shalt  }
0x7e: {  	_ =	shalt  }
0x7f: {  	_ =	shalt  }
0x80: {  	_ =	shalt  }
0x81: {  	_ =	shalt  }
0x82: {  	_ =	shalt  }
0x83: {  	_ =	shalt  }
0x84: {  	_ =	shalt  }
0x85: {  	_ =	shalt  }
0x86: {  	_ =	shalt  }
0x87: {  	_ =	shalt  }
.Lfunc_end0:
.L_simem_size_0:
called_computation_lowered:
.L_overlay_start_0:
0x88: {  	s2 =	sld [smem:$0x3FD9]  }
0x89: {  	s3 =	sld [smem:$0x3FFE];
	_ =	sdelay $0x1  }
0x8a: {  	s1 =	srdreg.scid  }
0x8b: {  	s0 =	sand.u32 $0x1, s1  }
0x8c: {  	s17 =	sshll.u32 s0, $0xA;
	s2 =	sadd.s32 s3, s2  }
0x8d: {  	s2 =	sadd.s32 s2, s17  }
0x8e: {  	[smem:$0x3FC5] =	sst s2  }
0x8f: {  	_ = 	snop  }
0x90: {  	s2 =	sld [smem:$0x3FC9]  }
0x91: {  	s18 =	sld [smem:$0x3FC8]  }
0x92: {  	s4 =	sld [smem:$0x3FC7];
	(tm) =	ssettm $0x1  }
0x93: {  	s5 =	sld [smem:$0x3FFB];
	_ =	sdelay $0x3  }
0x94: {  	_ =	strace s5  }
0x95: {  	s5 =	sld [smem:$0x3FFC];
	_ =	sdelay $0x3  }
0x96: {  	_ =	strace s5  }
0x97: {  	s5 =	sld [smem:$0x3FFD];
	_ =	sdelay $0x3  }
0x98: {  	_ =	strace s5  }
0x99: {  	_ =	strace $0x8FFFFFFF  }
0x9a: {  	s19 =	sld [smem:$0x3FDB];
	_ =	sdelay $0x1  }
0x9b: {  	s6 =	simm.s32 $_scs_section_size  }
0x9c: {  	s7 =	simm.s32 $_size__tile_overlayer_lowered;
	s8 =	simm.s32 $_tile_overlayer_lowered  }
0x9d: {  	s22 =	simm.s32 $0x1BFF;
	s21 =	sshll.u32 s8, $0x1;
	s5 =	sadd.s32 s6, s19  }
0x9e: {  	s9 =	simm.s32 $0x0;
	s20 =	sshll.u32 s7, $0x1;
	s7 =	sadd.s32 s21, s5  }
0x9f: {  	[timem:s9], [sflag:s22] =	dma.local [hbm:s7], s20  }
0xa0: {  	_ =	swait.ge [sflag:s22], s20  }
0xa1: {  	s6 =	ssub.s32 $0x0, s20;
	[sflag:s22] =	ssyncset.done $0x0  }
0xa2: {  	[sflag:s22] =	ssyncadd.s32 s6;
	_ =	sdelay $0x1  }
0xa3: {  	s23 =	simm.s32 $0x1B8B  }
0xa4: {  	_ =	swait.ge [sflag:s23], $0x1  }
0xa5: {  	[sflag:s23] =	ssyncset.done $0x0  }
0xa6: {  	s25 =	simm.s32 $0x1B8E;
	s24 =	sld [smem:$0x3FFE];
	[sflag:s23] =	ssyncadd.s32 $0xFFFFFFFF  }
0xa7: {  	s26 =	simm.s32 $execute0_lowered;
	[smem:$0x3FD2] =	sst s25  }
0xa8: {  	s7 =	sshll.u32 s26, $0x1;
	_ =	strace $0x80000046;
	[dreg:$0x1] =	wrdreg $0xFFFFFFFF  }
0xa9: {  	s28 =	simm.s32 $_size_execute0_lowered;
	s5 =	sadd.s32 s5, s7;
	[dreg:$0x0] =	wrdreg $0x0  }
0xaa: {  	s7 =	sshll.u32 s28, $0x1;
	[dreg:$0x2] =	wrdreg s5  }
0xab: {  	[dreg:$0x3] =	wrdreg s7  }
0xac: {  	[dreg:$0x4] =	wrdreg $0xC0  }
0xad: {  	_ =	task [dreg:s9], $0x5FFFF  }
0xae: {  	[dreg:$0x1] =	wrdreg $0xFFFFFFFF  }
0xaf: {  	[dreg:$0x0] =	wrdreg $0x60  }
0xb0: {  	[dreg:$0x2] =	wrdreg s2  }
0xb1: {  	[dreg:$0x3] =	wrdreg s18  }
0xb2: {  	[dreg:$0x4] =	wrdreg s4  }
0xb3: {  	[dreg:$0x5] =	wrdreg s24  }
0xb4: {  	[dreg:$0x6] =	wrdreg $0x9  }
0xb5: {  	_ =	task.clear_ibuf [dreg:s9], $0x7FFFF;
	_ =	strace $0x90000046  }
0xb6: {  	s29 =	simm.s32 $0x9;
	_ =	strace $0x80000048  }
0xb7: {  	_ =	swait.ge [sflag:s29], $0x1  }
0xb8: {  	[sflag:s29] =	ssyncadd.s32 $0xFFFFFFFF  }
0xb9: {  	_ =	strace $0x90000048  }
0xba: {  	_ =	sfence  }
0xbb: {  	s30 =	sld [smem:$0x0];
	_ =	sdelay $0x2  }
0xbc: {  	s31 =	sshll.u32 s1, $0xD;
	s1 =	sshrl.u32 s1, $0x2  }
0xbd: {  	s3 =	sand.u32 $0x4000, s31;
	s1 =	sadd.s32 s1, s30  }
0xbe: {  	s0 =	sor.u32 s3, s0;
	s1 =	sshll.u32 s1, $0x11  }
0xbf: {  	s0 =	sor.u32 s1, s0  }
0xc0: {  	s0 =	sadd.s32 $0x8F2B, s0  }
0xc1: {  	[sflag:s0] =	ssyncadd.remote.s32 $0x1  }
0xc2: {  	_ =	sfence.sel $0xFFFF  }
0xc3: {  	[dreg:$0x0] =	wrdreg $0xFFFFFFFF;
	(pc) =	sbr.abs _section_cstart, $3  }
0xc4: {  	[dreg:$0x1] =	wrdreg $0xFFFFFFFF  }
0xc5: {  	_ =	task.clear_ibuf [dreg:s9], $0x2FFFF;
	_ =	strace $0x9FFFFFFF  }
0xc6: {  	(tm) =	ssettm $0x7FFFFFFF  }
0xc7: {  	_ =	shalt  }
tec
execute0_lowered:
.L_overlay_start_1:
0x0: {  	(tag) =	ssettag $0x1  }
0x1: {  	vm14 =	vcmask $0x300;
	v0 =	vimm.s32 $0xB80  }
0x2: {  	vm13 =	vcmask $0x704;
	v0 =	vsel vm14, $0x0, v0  }
0x3: {  	vm12 =	vcmask $0xB08;
	v0 =	vsel vm13, $0x80, v0  }
0x4: {  	vm11 =	vcmask $0xF0C;
	vm10 =	vcmask $0x1310;
	v0 =	vsel vm12, $0x100, v0  }
0x5: {  	v31 =	vlaneseq.u32;
	vm9 =	vcmask $0x1714;
	v1 =	vsel vm11, $0x180, v0  }
0x6: {  	vm8 =	vcmask $0x1B18;
	vm7 =	vcmask $0x1F1C;
	v2 =	vsel vm10, $0x200, v1  }
0x7: {  	vm0 =	vcmask $0x2320;
	v4 =	vimm.s32 $0x1B80;
	v2 =	vsel vm9, $0x280, v2  }
0x8: {  	vm1 =	vcmask $0x2724;
	v4 =	vsel vm14, $0x1000, v4;
	v2 =	vsel vm8, $0x300, v2  }
0x9: {  	vm2 =	vcmask $0x2B28;
	v4 =	vsel vm13, $0x1080, v4;
	v2 =	vsel vm7, $0x380, v2  }
0xa: {  	vm3 =	vcmask $0x2F2C;
	v4 =	vsel vm12, $0x1100, v4;
	v2 =	vsel vm0, $0x800, v2  }
0xb: {  	vm4 =	vcmask $0x3330;
	v4 =	vsel vm11, $0x1180, v4;
	v2 =	vsel vm1, $0x880, v2  }
0xc: {  	s1 =	rddreg [dreg:$0x1];
	vm5 =	vcmask $0x3734;
	v4 =	vsel vm10, $0x1200, v4;
	v2 =	vsel vm2, $0x900, v2  }
0xd: {  	s0 =	rddreg [dreg:$0x2];
	vm6 =	vcmask $0x3B38;
	v4 =	vsel vm9, $0x1280, v4;
	v2 =	vsel vm3, $0x980, v2  }
0xe: {  	s2 =	rddreg [dreg:$0x3];
	s6 =	stileid.u32;
	s4 =	simm.s32 $0x0;
	v63 =	vimm.s32 $0xF80;
	v4 =	vsel vm8, $0x1300, v4;
	v2 =	vsel vm4, $0xA00, v2  }
0xf: {  	s3 =	srdreg.scid;
	s14 =	simm.s32 $0x80;
	v6 =	vimm.s32 $0x1F80;
	s16 =	simm.s32 $0x2800;
	v4 =	vsel vm7, $0x1380, v4;
	v5 =	vsel vm5, $0xA80, v2  }
0x10: {  	s31 =	simm.s32 $0x1;
	s28 =	simm.s32 $0x8800;
	s18 =	simm.s32 $0x8100;
	v4 =	vsel vm0, $0x1800, v4;
	v0 =	vsel vm6, $0xB00, v5;
	v5 =	vsel vm14, $0x400, v63  }
0x11: {  	s20 =	simm.s32 $0x8500;
	s15 =	simm.s32 $0xA900;
	s5 =	sshll.u32 s6, $0x1;
	v6 =	vsel vm14, $0x1400, v6;
	v4 =	vsel vm1, $0x1880, v4;
	v5 =	vsel vm13, $0x480, v5  }
0x12: {  	[smem:$0x7FF] =	sst s4;
	s3 =	sand.u32 $0x1, s3;
	s8 =	sshrl.u32 s6, $0x1;
	v6 =	vsel vm13, $0x1480, v6;
	v4 =	vsel vm2, $0x1900, v4;
	v5 =	vsel vm12, $0x500, v5  }
0x13: {  	s6 =	sadd.s32 $0x400, s2;
	s5 =	sand.u32 $0x2, s5;
	_ =	strace $0x80000047;
	v6 =	vsel vm12, $0x1500, v6;
	v4 =	vsel vm3, $0x1980, v4;
	v5 =	vsel vm11, $0x580, v5  }
0x14: {  	s7 =	sshll.u32 s8, $0x7;
	s10 =	sshll.u32 s8, $0x4;
	s12 =	smul.u32 $0x22000, s8;
	v6 =	vsel vm11, $0x1580, v6;
	v4 =	vsel vm4, $0x1A00, v4;
	v5 =	vsel vm10, $0x600, v5  }
0x15: {  	s9 =	sor.u32 s3, s5;
	s3 =	ssub.s32 $0x2, s3;
	s0 =	sadd.s32 s0, s10;
	v6 =	vsel vm10, $0x1600, v6;
	v4 =	vsel vm5, $0x1A80, v4;
	v5 =	vsel vm9, $0x680, v5  }
0x16: {  	s5 =	sshll.u32 s9, $0x5;
	s22 =	sshrl.u32 s3, $0x1;
	[dreg:$0x5] =	wrdreg s0;
	v6 =	vsel vm9, $0x1680, v6;
	[tilespmem:$0x1FF50] =	vst v0;
	v0 =	vsel vm6, $0x1B00, v4;
	v7 =	vsel vm8, $0x700, v5  }
0x17: {  	s24 =	sadd.s32 s6, s12;
	s7 =	sor.u32 s7, s5;
	s2 =	ssub.s32 s3, s22;
	v6 =	vsel vm8, $0x1700, v6;
	[tilespmem:$0x1FF60] =	vst v0;
	v0 =	vor.u32 $0x10, v31;
	v7 =	vsel vm7, $0x780, v7  }
0x18: {  	[dreg:$0x7] =	wrdreg s24;
	s11 =	sshll.u32 s7, $0x7;
	s2 =	smax.u32 s2, $0x1;
	v8 =	vsel vm7, $0x1780, v6;
	[tilespmem:$0x1FF70] =	vst v0;
	v0 =	vor.u32 $0x20, v31;
	v9 =	vsel vm0, $0xC00, v7  }
0x19: {  	s17 =	simm.s32 $0x4;
	s23 =	sadd.s32 s1, s11;
	[dreg:$0x8] =	wrdreg s2;
	v8 =	vsel vm0, $0x1C00, v8;
	[tilespmem:$0x1FF80] =	vst v0;
	v0 =	vor.u32 $0x30, v31;
	v9 =	vsel vm1, $0xC80, v9  }
0x1a: {  	s10 =	smul.u32 $0x110000, s8;
	s25 =	sadd.s32 $0x80, s23;
	[dreg:$0x6] =	wrdreg s23;
	v10 =	vsel vm1, $0x1C80, v8;
	[tilespmem:$0x1FF90] =	vst v0;
	v0 =	vor.u32 $0x40, v31;
	v11 =	vsel vm2, $0xD00, v9  }
0x1b: {  	p0 =	sne.s32 s9, $0x0;
	s26 =	sadd.s32 $0x100, s23;
	[dreg:$0x9] =	wrdreg s25;
	v10 =	vsel vm2, $0x1D00, v10;
	[tilespmem:$0x1FFA0] =	vst v0;
	v0 =	vor.u32 $0x50, v31;
	v11 =	vsel vm3, $0xD80, v11  }
.Ltmp0:
0x1c: {  	s29 =	sadd.s32 $0x180, s23;
	[dreg:$0xa] =	wrdreg s26;
	v12 =	vsel vm3, $0x1D80, v10;
	[tilespmem:$0x1FFB0] =	vst v0;
	v0 =	vor.u32 $0x60, v31;
	v13 =	vsel vm4, $0xE00, v11;
	(pc) =	sbr.rel .LBB2_1-.Ltmp0, $4  }
0x1d: {  	s22 =	simm.s32 $0x8900;
	s30 =	sadd.s32 $0x200, s23;
	[dreg:$0xb] =	wrdreg s29;
	v12 =	vsel vm4, $0x1E00, v12;
	[tilespmem:$0x1FFC0] =	vst v0;
	v0 =	vor.u32 $0x70, v31;
	v13 =	vsel vm5, $0xE80, v13  }
0x1e: {  	s24 =	simm.s32 $0x2;
	s0 =	sadd.s32 $0x280, s23;
	[dreg:$0xc] =	wrdreg s30;
	v14 =	vsel vm5, $0x1E80, v12;
	[tilespmem:$0x1FFD0] =	vst v0;
	v0 =	vsel vm6, $0xF00, v13  }
0x1f: {  	v3 =	vimm.s32 $0x0;
	v1 =	vimm.bf16 $1.2500e-01;
	s3 =	simm.s32 $0xA100;
	s11 =	simm.s32 $0x0;
	[dreg:$0xd] =	wrdreg s0;
	[tilespmem:$0x1FFE0] =	vst v0;
	v0 =	vsel vm6, $0x1F00, v14  }
0x20: {  	s25 =	simm.s32 $0x6D00;
	s26 =	simm.s32 $0x8D00;
	s0 =	simm.s32 $0xA500;
	v2 =	vsel vm14, $0xB, v3;
	[tilespmem:$0x1FFF0] =	vst v0  }
.LBB2_15:
0x21: {  	s11 =	sadd.s32 $0x1, s11;
	s2 =	rddreg [dreg:$0x8]  }
0x22: {  	p1 =	sne.s32 s11, s2  }
.Ltmp1:
0x23: {  	_ = 	snop;
	(pc) =	sbr.rel @!p1 .LBB2_16-.Ltmp1, $1  }
0x24: {  	_ =	sdelay $0x3  }
.LBB2_1:
0x25: {  	[dreg:$0xe] =	wrdreg s11  }
0x26: {  	s2 =	rddreg [dreg:$0x0];
	s8 =	simm.s32 $0x5  }
0x27: {  	[tilespmem:s4], [sflag:$0x5] =	stream.linear.gather [hbm4b:s2+s4], $0x2000, $0x38;
	[tilespmem:$0xAD00] =	vst v63  }
0x28: {  	_ =	swait.ge [sflag:s8], $0x2000  }
0x29: {  	[sflag:s8] =	ssyncset.done $0x0  }
0x2a: {  	s9 =	simm.s32 $0x400;
	s11 =	rddreg [dreg:$0x5];
	[sflag:s8] =	ssyncadd.s32 $0xFFFFE000  }
0x2b: {  	[tilespmem:s16], [sflag:$0x5] =	stream.strided.gather [hbm4b:s11+s14], $0x4500, s9, s14, $0x38;
	[tilespmem:$0xAD00] =	vst v63  }
0x2c: {  	_ =	swait.ge [sflag:s8], $0x4500  }
0x2d: {  	[sflag:s8] =	ssyncset.done $0x0  }
0x2e: {  	s12 =	simm.s32 $0x2000;
	s2 =	rddreg [dreg:$0x6];
	[sflag:s8] =	ssyncadd.s32 $0xFFFFBB00  }
0x2f: {  	[tilespmem:s12], [sflag:$0x1] =	stream.linear.gather [hbm4b:s2+s4], $0x80, $0x38;
	[tilespmem:$0xAD00] =	vst v63  }
0x30: {  	s19 =	simm.s32 $0x2100;
	s13 =	rddreg [dreg:$0x9]  }
0x31: {  	[tilespmem:s19], [sflag:$0x1] =	stream.linear.gather [hbm4b:s13+s4], $0x80, $0x38;
	[tilespmem:$0xAD00] =	vst v63  }
0x32: {  	s23 =	simm.s32 $0x2200;
	s21 =	rddreg [dreg:$0xa]  }
0x33: {  	[tilespmem:s23], [sflag:$0x1] =	stream.linear.gather [hbm4b:s21+s4], $0x80, $0x38;
	[tilespmem:$0xAD00] =	vst v63  }
0x34: {  	s30 =	simm.s32 $0x2300;
	s29 =	rddreg [dreg:$0xb]  }
0x35: {  	[tilespmem:s30], [sflag:$0x1] =	stream.linear.gather [hbm4b:s29+s4], $0x80, $0x38;
	[tilespmem:$0xAD00] =	vst v63  }
0x36: {  	s11 =	rddreg [dreg:$0xc];
	s12 =	simm.s32 $0x2400  }
0x37: {  	[tilespmem:s12], [sflag:$0x1] =	stream.linear.gather [hbm4b:s11+s4], $0x80, $0x38;
	[tilespmem:$0xAD00] =	vst v63  }
0x38: {  	s13 =	rddreg [dreg:$0xd];
	s19 =	simm.s32 $0x2500  }
0x39: {  	[tilespmem:s19], [sflag:$0x1] =	stream.linear.gather [hbm4b:s13+s4], $0x80, $0x38;
	[tilespmem:$0xAD00] =	vst v63  }
0x3a: {  	s21 =	sadd.s32 $0x300, s2;
	s23 =	simm.s32 $0x2600  }
0x3b: {  	[tilespmem:s23], [sflag:$0x1] =	stream.linear.gather [hbm4b:s21+s4], $0x80, $0x38;
	[tilespmem:$0xAD00] =	vst v63  }
0x3c: {  	s29 =	sadd.s32 $0x380, s2;
	s30 =	simm.s32 $0x2700;
	s19 =	simm.s32 $0x0  }
0x3d: {  	[tilespmem:s30], [sflag:$0x1] =	stream.linear.gather [hbm4b:s29+s4], $0x80, $0x38;
	[tilespmem:$0xAD00] =	vst v63  }
.LBB2_2:
0x3e: {  	s21 =	sshll.u32 s19, $0x1  }
0x3f: {  	s9 =	sshll.u32 s19, $0x5;
	s8 =	sadd.s32 s7, s21  }
0x40: {  	s9 =	sand.u32 $0x60, s9;
	s8 =	sshll.u32 s8, $0x7  }
0x41: {  	_ =	swait.ge [sflag:s31], $0x400;
	s9 =	sadd.s32 s9, s1;
	s8 =	sand.u32 $0xFFFFC00, s8  }
0x42: {  	[sflag:s31] =	ssyncset.done $0x0;
	s8 =	sadd.s32 s8, s9  }
0x43: {  	s2 =	simm.s32 $0x2080;
	[sflag:s31] =	ssyncadd.s32 $0xFFFFFC00;
	s9 =	sadd.s32 $0x10, s8  }
0x44: {  	[tilespmem:s2], [sflag:$0x2] =	stream.linear.gather [hbm4b:s9+s4], $0x80, $0x38;
	[tilespmem:$0xAD00] =	vst v63  }
0x45: {  	s30 =	simm.s32 $0x2180;
	s23 =	sadd.s32 $0x90, s8  }
0x46: {  	[tilespmem:s30], [sflag:$0x2] =	stream.linear.gather [hbm4b:s23+s4], $0x80, $0x38;
	[tilespmem:$0xAD00] =	vst v63  }
0x47: {  	s11 =	simm.s32 $0x2280;
	s2 =	sadd.s32 $0x110, s8  }
0x48: {  	[tilespmem:s11], [sflag:$0x2] =	stream.linear.gather [hbm4b:s2+s4], $0x80, $0x38;
	[tilespmem:$0xAD00] =	vst v63  }
0x49: {  	s13 =	simm.s32 $0x2380;
	s12 =	sadd.s32 $0x190, s8  }
0x4a: {  	[tilespmem:s13], [sflag:$0x2] =	stream.linear.gather [hbm4b:s12+s4], $0x80, $0x38;
	[tilespmem:$0xAD00] =	vst v63  }
0x4b: {  	s23 =	sadd.s32 $0x210, s8;
	s30 =	simm.s32 $0x2480  }
0x4c: {  	[tilespmem:s30], [sflag:$0x2] =	stream.linear.gather [hbm4b:s23+s4], $0x80, $0x38;
	[tilespmem:$0xAD00] =	vst v63  }
0x4d: {  	s2 =	sadd.s32 $0x290, s8;
	s11 =	simm.s32 $0x2580  }
0x4e: {  	[tilespmem:s11], [sflag:$0x2] =	stream.linear.gather [hbm4b:s2+s4], $0x80, $0x38;
	[tilespmem:$0xAD00] =	vst v63  }
0x4f: {  	s12 =	sadd.s32 $0x310, s8;
	s13 =	simm.s32 $0x2680  }
0x50: {  	[tilespmem:s13], [sflag:$0x2] =	stream.linear.gather [hbm4b:s12+s4], $0x80, $0x38;
	[tilespmem:$0xAD00] =	vst v63  }
0x51: {  	s8 =	sadd.s32 $0x390, s8;
	s23 =	simm.s32 $0x2780  }
0x52: {  	[tilespmem:s23], [sflag:$0x2] =	stream.linear.gather [hbm4b:s8+s4], $0x80, $0x38;
	[tilespmem:$0xAD00] =	vst v63  }
0x53: {  	s23 =	sor.u32 s5, s21  }
0x54: {  	s29 =	sor.u32 $0x1, s23  }
0x55: {  	s30 =	smul.u32 $0x220, s29  }
0x56: {  	p1 =	seq.s32 s19, $0x0  }
0x57: {  	s9 =	simm.s32 @!p1 $0x3;
	s8 =	sshra.s32 s30, $0x2  }
0x58: {  	_ =	swait.ge @!p1 [sflag:s9], $0x2000;
	s8 =	sadd.s32 $0x2801, s8  }
0x59: {  	[sflag:s9] =	ssyncset.done @!p1 $0x0;
	v0 =	vmov s8  }
0x5a: {  	s11 =	simm.s32 $0x0;
	[sflag:s9] =	ssyncadd.s32 @!p1 $0xFFFFE000;
	[tilespmem:$0x1FF40] =	vst v0  }
.LBB2_3:
0x5b: {  	s9 =	sshll.u32 s11, $0x4  }
0x5c: {  	v17 =	vld [tilespmem:s9+$0x2000]  }
0x5d: {  	v0 =	vld [tilespmem:$0x1FF40]  }
0x5e: {  	v18 =	vld [tilespmem:s9+$0x2100]  }
0x5f: {  	v19 =	vld [tilespmem:s9+$0x2200]  }
0x60: {  	s8 =	simm.s32 $0x600;
	v20 =	vld [tilespmem:s9+$0x2300]  }
0x61: {  	s30 =	simm.s32 $0x400;
	v21 =	vld [tilespmem:s9+$0x2400];
	v25 =	vadd.s32 s8, v17  }
0x62: {  	v22 =	vld [tilespmem:s9+$0x2500];
	v26 =	vadd.s32 s30, v17  }
0x63: {  	v23 =	vld [tilespmem:s9+$0x2600];
	v27 =	vadd.s32 s30, v18  }
0x64: {  	v24 =	vld [tilespmem:s9+$0x2700];
	v28 =	vadd.s32 s30, v19  }
0x65: {  	v29 =	vadd.s32 s30, v20;
	v16 =	vld.idx.msk [tilespmem:v0+s9+$0x0 ss:$0x1], $0xffff  }
0x66: {  	s13 =	simm.s32 $0x0;
	v30 =	vadd.s32 s30, v21;
	v33 =	vld.idx.msk [tilespmem:v25+s4+$0x0], $0xffff  }
0x67: {  	v60 =	vadd.s32 s13, v17;
	v34 =	vld.idx.msk [tilespmem:v26+s4+$0x0], $0xffff  }
0x68: {  	v61 =	vadd.s32 s13, v18;
	v35 =	vld.idx.msk [tilespmem:v27+s4+$0x0], $0xffff  }
0x69: {  	v63 =	vadd.s32 s13, v19;
	v36 =	vld.idx.msk [tilespmem:v28+s4+$0x0], $0xffff  }
0x6a: {  	v40 =	vadd.s32 s13, v20;
	v37 =	vld.idx.msk [tilespmem:v29+s4+$0x0], $0xffff  }
0x6b: {  	v42 =	vadd.s32 s13, v21;
	v38 =	vld.idx.msk [tilespmem:v30+s4+$0x0], $0xffff  }
0x6c: {  	v44 =	vadd.s32 s13, v22;
	v45 =	vld.idx.msk [tilespmem:v60+s4+$0x0], $0xffff  }
0x6d: {  	s12 =	simm.s32 $0x200;
	v46 =	vadd.s32 s13, v23;
	v47 =	vld.idx.msk [tilespmem:v61+s4+$0x0], $0xffff  }
0x6e: {  	v48 =	vadd.s32 s13, v24;
	v50 =	vadd.s32 s12, v17;
	v49 =	vld.idx.msk [tilespmem:v63+s4+$0x0], $0xffff  }
0x6f: {  	v51 =	vadd.s32 s12, v18;
	v52 =	vadd.s32 s8, v18;
	v53 =	vadd.s32 s8, v19;
	v40 =	vld.idx.msk [tilespmem:v40+s4+$0x0], $0xffff  }
0x70: {  	v54 =	vadd.s32 s12, v19;
	v55 =	vadd.s32 s12, v20;
	v56 =	vadd.s32 s12, v21;
	v42 =	vld.idx.msk [tilespmem:v42+s4+$0x0], $0xffff  }
0x71: {  	v57 =	vadd.s32 s12, v22;
	v58 =	vadd.s32 s12, v23;
	v59 =	vadd.s32 s12, v24;
	s13 =	simm.s32 $0x6;
	v44 =	vld.idx.msk [tilespmem:v44+s4+$0x0], $0xffff  }
0x72: {  	v12 =	vadd.s32 s8, v24;
	v13 =	vmov s13;
	s9 =	sor.u32 $0x1, s9;
	v25 =	vadd.s32 s30, v22;
	v46 =	vld.idx.msk [tilespmem:v46+s4+$0x0], $0xffff  }
0x73: {  	v62 =	vadd.s32 s9, v31;
	v26 =	vadd.s32 s30, v23;
	v27 =	vadd.s32 s30, v24;
	v48 =	vld.idx.msk [tilespmem:v48+s4+$0x0], $0xffff  }
0x74: {  	s2 =	simm.s32 $0x0;
	s12 =	simm.s32 $0x2;
	v60 =	vadd.s32 s8, v20;
	v61 =	vadd.s32 s8, v21;
	v63 =	vadd.s32 s8, v23;
	v50 =	vld.idx.msk [tilespmem:v50+s4+$0x0], $0xffff;
	s30 =	simm.s32 $0x4  }
0x75: {  	v28 =	vmov s2;
	v29 =	vmov s12;
	v52 =	vld.idx.msk [tilespmem:v52+s4+$0x0], $0xffff;
	s2 =	simm.s32 $0xC00;
	s12 =	simm.s32 $0x800;
	v30 =	vmov s30  }
0x76: {  	v14 =	vld.idx.msk [tilespmem:v54+s4+$0x0], $0xffff;
	v32 =	vadd.s32 s2, v22;
	v3 =	vadd.s32 s12, v19;
	v54 =	vshrl.u32 v30, $0x3  }
0x77: {  	v30 =	vadd.s32 s2, v21;
	v39 =	vld.idx.msk [tilespmem:v25+s4+$0x0], $0xffff;
	v25 =	vshll.u32 v62, $0x3;
	v34 =	vadd.bf16 v35, v34  }
0x78: {  	v41 =	vld.idx.msk [tilespmem:v26+s4+$0x0], $0xffff;
	v26 =	vand.u32 $0x7F, v62;
	v4 =	vadd.bf16 v37, v36;
	v45 =	vadd.bf16 v47, v45  }
0x79: {  	v55 =	vld.idx.msk [tilespmem:v55+s4+$0x0], $0xffff;
	v62 =	vadd.s32 s8, v22;
	v40 =	vadd.bf16 v40, v49;
	v42 =	vadd.bf16 v44, v42  }
0x7a: {  	v43 =	vld.idx.msk [tilespmem:v27+s4+$0x0], $0xffff;
	v37 =	vshll.u32 v54, v2;
	v46 =	vadd.bf16 v48, v46;
	v33 =	vadd.bf16 v52, v33  }
0x7b: {  	v47 =	vld.idx.msk [tilespmem:v57+s4+$0x0], $0xffff;
	v52 =	vadd.s32 s12, v21;
	v57 =	vadd.s32 s12, v22;
	v25 =	vand.u32 $0x7FFFFC00, v25  }
0x7c: {  	s9 =	simm.s32 $0xE00;
	v36 =	vld.idx.msk [tilespmem:v51+s4+$0x0], $0xffff;
	v11 =	vor.u32 v26, v25;
	v34 =	vadd.bf16 v4, v34;
	v4 =	vbroadcast v37, $0x0  }
0x7d: {  	v37 =	vld.idx.msk [tilespmem:v58+s4+$0x0], $0xffff;
	v40 =	vadd.bf16 v40, v45;
	v42 =	vadd.bf16 v46, v42;
	v58 =	vadd.s32 s9, v17  }
0x7e: {  	v46 =	vld.idx.msk [tilespmem:v63+s4+$0x0], $0xffff;
	v63 =	vadd.s32 s9, v18;
	v9 =	vor.u32 $0x80, v11;
	v7 =	vor.u32 $0x100, v11  }
0x7f: {  	v35 =	vld.idx.msk [tilespmem:v53+s4+$0x0], $0xffff;
	v0 =	vor.u32 $0x180, v11;
	v15 =	vor.u32 $0x200, v11;
	v25 =	vor.u32 $0x280, v11  }
0x80: {  	v53 =	vld.idx.msk [tilespmem:v60+s4+$0x0], $0xffff;
	v10 =	vor.u32 $0x300, v11;
	v8 =	vor.u32 $0x380, v11;
	v44 =	vadd.s32 v15, v4  }
0x81: {  	v49 =	vadd.s32 v25, v4;
	v4 =	vadd.s32 s2, v19;
	v40 =	vadd.bf16 v42, v40  }
0x82: {  	v12 =	vld.idx.msk [tilespmem:v12+s4+$0x0], $0xffff;
	v5 =	vadd.bf16 v39, v38;
	v6 =	vadd.bf16 v43, v41;
	v43 =	vshrl.u32 v28, $0x3  }
0x83: {  	v51 =	vld.idx.msk [tilespmem:v59+s4+$0x0], $0xffff;
	v39 =	vshrl.u32 v13, $0x3;
	v36 =	vadd.bf16 v36, v50;
	v41 =	vadd.bf16 v55, v14  }
0x84: {  	v13 =	vadd.s32 s9, v19;
	v14 =	vadd.s32 s12, v18;
	v55 =	vld.idx.msk [tilespmem:v30+s4+$0x0], $0xffff;
	v30 =	vadd.s32 s12, v20  }
0x85: {  	v54 =	vld.idx.msk [tilespmem:v32+s4+$0x0], $0xffff;
	v35 =	vadd.bf16 v53, v35;
	v43 =	vshll.u32 v43, v2;
	v39 =	vshll.u32 v39, v2  }
0x86: {  	v38 =	vld.idx.msk [tilespmem:v56+s4+$0x0], $0xffff;
	v40 =	vmul.bf16 v1, v40;
	v31 =	vadd.bf16 v6, v5;
	v5 =	vshrl.u32 v29, $0x3  }
0x87: {  	v56 =	vld.idx.msk [tilespmem:v61+s4+$0x0], $0xffff;
	v29 =	vadd.s32 s2, v17;
	v43 =	vbroadcast v43, $0x0;
	v36 =	vadd.bf16 v41, v36  }
0x88: {  	v50 =	vld.idx.msk [tilespmem:v62+s4+$0x0], $0xffff;
	v60 =	vbroadcast v39, $0x0;
	v37 =	vadd.bf16 v51, v37;
	v34 =	vadd.bf16 v31, v34  }
0x89: {  	v3 =	vld.idx.msk [tilespmem:v3+s4+$0x0], $0xffff;
	v12 =	vadd.bf16 v12, v46;
	v6 =	vshll.u32 v5, v2;
	v5 =	vadd.s32 s2, v20  }
0x8a: {  	v52 =	vld.idx.msk [tilespmem:v52+s4+$0x0], $0xffff;
	v46 =	vadd.s32 s12, v24;
	v31 =	vadd.s32 s2, v18;
	v34 =	vmul.bf16 v1, v34  }
0x8b: {  	v33 =	vadd.bf16 v35, v33;
	v45 =	vbroadcast v6, $0x0;
	v6 =	vadd.s32 s2, v23;
	v41 =	vld.idx.msk [tilespmem:v4+s4+$0x0], $0xffff  }
0x8c: {  	v35 =	vadd.s32 s9, v24;
	v38 =	vadd.bf16 v47, v38;
	v14 =	vld.idx.msk [tilespmem:v14+s4+$0x0], $0xffff;
	v28 =	vunpack.i.l.bf16.f32 v34  }
0x8d: {  	v50 =	vadd.bf16 v50, v56;
	v42 =	vld.idx.msk [tilespmem:v29+s4+$0x0], $0xffff;
	v48 =	vadd.f32 v28, v16;
	v28 =	vadd.s32 s2, v24  }
0x8e: {  	v61 =	vadd.s32 v11, v43;
	v29 =	vadd.s32 s12, v17;
	v37 =	vadd.bf16 v37, v38;
	v59 =	vld.idx.msk [tilespmem:v5+s4+$0x0], $0xffff  }
0x8f: {  	v56 =	vadd.s32 s12, v23;
	v12 =	vadd.bf16 v12, v50;
	v34 =	vunpack.i.u.bf16.f32 v34;
	v31 =	vld.idx.msk [tilespmem:v31+s4+$0x0], $0xffff  }
0x90: {  	v1 =	vimm.bf16 $1.2500e-01;
	v34 =	vadd.f32 v34, v16;
	v53 =	vld.idx.msk [tilespmem:v6+s4+$0x0], $0xffff;
	v5 =	vadd.bf16 v37, v36  }
0x91: {  	s2 =	simm.s32 $0xA00;
	v12 =	vadd.bf16 v12, v33;
	v33 =	vld.idx.msk [tilespmem:v57+s4+$0x0], $0xffff;
	v57 =	vadd.s32 s9, v21;
	v36 =	vadd.s32 s9, v23  }
0x92: {  	v37 =	vadd.s32 v10, v60;
	v62 =	vadd.s32 s2, v17;
	v4 =	vadd.s32 s2, v18;
	v47 =	vld.idx.msk [tilespmem:v28+s4+$0x0], $0xffff  }
0x93: {  	v50 =	vadd.s32 s2, v19;
	v6 =	vadd.s32 s2, v20;
	v51 =	vadd.s32 s2, v23;
	v38 =	vld.idx.msk [tilespmem:v29+s4+$0x0], $0xffff  }
0x94: {  	v5 =	vmul.bf16 v1, v5;
	v12 =	vmul.bf16 v1, v12;
	v29 =	vadd.bf16 v59, v41;
	v28 =	vld.idx.msk [tilespmem:v30+s4+$0x0], $0xffff  }
0x95: {  	v46 =	vld.idx.msk [tilespmem:v46+s4+$0x0], $0xffff;
	v41 =	vadd.s32 s2, v22;
	v31 =	vadd.bf16 v31, v42;
	v42 =	vadd.s32 s2, v21  }
0x96: {  	v56 =	vld.idx.msk [tilespmem:v56+s4+$0x0], $0xffff;
	v30 =	vadd.bf16 v54, v55;
	v52 =	vadd.bf16 v33, v52;
	v33 =	vadd.s32 v8, v60  }
0x97: {  	s30 =	simm.s32 $0xE;
	v54 =	vadd.s32 s9, v20;
	v31 =	vadd.bf16 v29, v31;
	v29 =	vld.idx.msk [tilespmem:v62+s4+$0x0], $0xffff;
	[tilespmem:$0x1FEC0] =	vst v9;
	v47 =	vadd.bf16 v47, v53  }
0x98: {  	v14 =	vadd.bf16 v14, v38;
	v4 =	vld.idx.msk [tilespmem:v4+s4+$0x0], $0xffff;
	v38 =	vadd.s32 v0, v45;
	[tilespmem:$0x1FEF0] =	vst v10;
	v10 =	vmov s30  }
0x99: {  	[tilespmem:$0x1FED0] =	vst v7;
	v53 =	vadd.s32 s2, v24;
	v3 =	vadd.bf16 v28, v3;
	v39 =	vadd.bf16 v47, v30  }
0x9a: {  	[tilespmem:$0x1FEE0] =	vst v0;
	v28 =	vunpack.i.l.bf16.f32 v40;
	v47 =	vadd.s32 s9, v22;
	v30 =	vunpack.i.u.bf16.f32 v40;
	s9 =	simm.s32 $0xC  }
0x9b: {  	v6 =	vld.idx.msk [tilespmem:v6+s4+$0x0], $0xffff;
	v55 =	vadd.bf16 v39, v31;
	v31 =	vadd.bf16 v46, v56;
	v56 =	vmov s9  }
0x9c: {  	s12 =	simm.s32 $0x8;
	v40 =	vadd.s32 v9, v43;
	v3 =	vadd.bf16 v3, v14;
	v14 =	vld.idx.msk [tilespmem:v50+s4+$0x0], $0xffff;
	[tilespmem:$0x1FF00] =	vst v8;
	v46 =	vshrl.u32 v56, $0x3  }
0x9d: {  	v43 =	vadd.f32 v28, v16;
	v9 =	vmov s12;
	[tilespmem:v44+s25+$0x0] =	vst.idx.msk $0xffff, v48;
	v46 =	vshll.u32 v46, v2  }
0x9e: {  	v62 =	vadd.f32 v30, v16;
	v4 =	vadd.bf16 v4, v29;
	[tilespmem:v49+s25+$0x0] =	vst.idx.msk $0xffff, v34;
	v46 =	vbroadcast v46, $0x0  }
0x9f: {  	s13 =	simm.s32 $0xA;
	v28 =	vshrl.u32 v9, $0x3;
	v39 =	vadd.s32 v7, v45;
	v34 =	vld.idx.msk [tilespmem:v58+s4+$0x0], $0xffff;
	[tilespmem:$0x1FF10] =	vst v15;
	v45 =	vadd.bf16 v31, v52  }
0xa0: {  	v29 =	vmov s13;
	v30 =	vmul.bf16 v1, v55;
	[tilespmem:v61+s25+$0x0] =	vst.idx.msk $0xffff, v43;
	v31 =	vadd.s32 v15, v46  }
0xa1: {  	v50 =	vshll.u32 v28, v2;
	v49 =	vshrl.u32 v29, $0x3;
	v32 =	vld.idx.msk [tilespmem:v42+s4+$0x0], $0xffff;
	[tilespmem:$0x1FF20] =	vst v25;
	v58 =	vadd.s32 v25, v46  }
0xa2: {  	v56 =	vshrl.u32 v10, $0x3;
	v59 =	vshll.u32 v49, v2;
	v41 =	vld.idx.msk [tilespmem:v41+s4+$0x0], $0xffff;
	v60 =	vunpack.i.l.bf16.f32 v30  }
0xa3: {  	v43 =	vshll.u32 v56, v2;
	v48 =	vld.idx.msk [tilespmem:v51+s4+$0x0], $0xffff;
	v61 =	vunpack.i.u.bf16.f32 v30;
	v42 =	vadd.f32 v60, v16  }
0xa4: {  	v3 =	vadd.bf16 v45, v3;
	v51 =	vld.idx.msk [tilespmem:v53+s4+$0x0], $0xffff;
	[tilespmem:v40+s25+$0x0] =	vst.idx.msk $0xffff, v62;
	v45 =	vadd.f32 v61, v16  }
0xa5: {  	v50 =	vbroadcast v50, $0x0;
	v44 =	vbroadcast v59, $0x0;
	v6 =	vadd.bf16 v6, v14;
	v52 =	vld.idx.msk [tilespmem:v63+s4+$0x0], $0xffff;
	[tilespmem:v31+s25+$0x0] =	vst.idx.msk $0xffff, v42  }
0xa6: {  	v43 =	vbroadcast v43, $0x0;
	v62 =	vunpack.i.u.bf16.f32 v5;
	v5 =	vunpack.i.l.bf16.f32 v5;
	v53 =	vld.idx.msk [tilespmem:v13+s4+$0x0], $0xffff;
	[tilespmem:v58+s25+$0x0] =	vst.idx.msk $0xffff, v45  }
0xa7: {  	v63 =	vunpack.i.l.bf16.f32 v12;
	v56 =	vld.idx.msk [tilespmem:v54+s4+$0x0], $0xffff;
	v49 =	vadd.bf16 v6, v4;
	v59 =	vadd.f32 v5, v16;
	[tilespmem:$0x1FF30] =	vst v11  }
0xa8: {  	v46 =	vadd.f32 v63, v16;
	v55 =	vmul.bf16 v1, v3;
	v54 =	vadd.bf16 v41, v32;
	v57 =	vld.idx.msk [tilespmem:v57+s4+$0x0], $0xffff  }
0xa9: {  	s8 =	simm.s32 $0x1600;
	s9 =	simm.s32 $0x4;
	v42 =	vunpack.i.u.bf16.f32 v12;
	v45 =	vadd.s32 v11, v50;
	v58 =	vld.idx.msk [tilespmem:v47+s4+$0x0], $0xffff;
	v47 =	vadd.f32 v62, v16  }
.LBB2_4:
0xaa: {  	_ = 	snop  }
0xab: {  	s2 =	sadd.s32 $0xFFFFFE00, s8;
	v3 =	vadd.s32 s8, v17  }
0xac: {  	v4 =	vld.idx.msk [tilespmem:v36+s4+$0x0], $0xffff;
	v12 =	vadd.s32 s2, v17  }
0xad: {  	v13 =	vld.idx.msk [tilespmem:v35+s4+$0x0], $0xffff;
	v31 =	vadd.s32 s2, v18;
	[tilespmem:v37+s25+$0x0] =	vst.idx.msk $0xffff, v46;
	v37 =	vadd.bf16 v51, v48  }
0xae: {  	v46 =	vadd.s32 s2, v19;
	v51 =	vadd.bf16 v56, v53;
	v56 =	vadd.bf16 v58, v57;
	v57 =	vld [tilespmem:$0x1FEC0]  }
0xaf: {  	[tilespmem:v39+s25+$0x0] =	vst.idx.msk $0xffff, v59;
	v39 =	vadd.s32 s2, v22;
	v53 =	vld [tilespmem:$0x1FED0]  }
0xb0: {  	s13 =	sadd.s32 $0xFFFFFA00, s8;
	v29 =	vadd.s32 s2, v24;
	v3 =	vld.idx.msk [tilespmem:v3+s4+$0x0], $0xffff  }
0xb1: {  	v5 =	vadd.s32 s13, v17;
	v12 =	vld.idx.msk [tilespmem:v12+s4+$0x0], $0xffff  }
0xb2: {  	v6 =	vadd.s32 s13, v18;
	v15 =	vld.idx.msk [tilespmem:v31+s4+$0x0], $0xffff  }
0xb3: {  	v28 =	vld.idx.msk [tilespmem:v46+s4+$0x0], $0xffff  }
0xb4: {  	s12 =	sadd.s32 $0xFFFFFC00, s8;
	v14 =	vadd.s32 s13, v19;
	v48 =	vld.idx.msk [tilespmem:v39+s4+$0x0], $0xffff  }
0xb5: {  	v7 =	vadd.s32 s12, v17;
	v4 =	vadd.bf16 v13, v4;
	v13 =	vld.idx.msk [tilespmem:v29+s4+$0x0], $0xffff  }
0xb6: {  	v8 =	vadd.s32 s12, v18;
	v5 =	vld.idx.msk [tilespmem:v5+s4+$0x0], $0xffff  }
0xb7: {  	v9 =	vadd.s32 s12, v19;
	v6 =	vld.idx.msk [tilespmem:v6+s4+$0x0], $0xffff  }
0xb8: {  	[tilespmem:v38+s25+$0x0] =	vst.idx.msk $0xffff, v47;
	v47 =	vadd.s32 s2, v20;
	v37 =	vadd.bf16 v37, v54;
	v54 =	vld [tilespmem:$0x1FEE0]  }
0xb9: {  	v41 =	vadd.s32 s8, v18;
	v38 =	vadd.s32 s2, v21;
	v14 =	vld.idx.msk [tilespmem:v14+s4+$0x0], $0xffff  }
0xba: {  	v40 =	vadd.s32 s8, v19;
	v36 =	vadd.s32 s8, v23;
	v25 =	vadd.s32 s2, v23;
	v7 =	vld.idx.msk [tilespmem:v7+s4+$0x0], $0xffff  }
0xbb: {  	v35 =	vadd.s32 s8, v24;
	v42 =	vadd.f32 v42, v16;
	v59 =	vadd.s32 s13, v20;
	v8 =	vld.idx.msk [tilespmem:v8+s4+$0x0], $0xffff  }
0xbc: {  	v60 =	vadd.s32 s13, v21;
	v61 =	vadd.s32 s13, v22;
	v62 =	vadd.s32 s13, v23;
	v9 =	vld.idx.msk [tilespmem:v9+s4+$0x0], $0xffff  }
0xbd: {  	v63 =	vadd.s32 s13, v24;
	v10 =	vadd.s32 s12, v20;
	v11 =	vadd.s32 s12, v21;
	v30 =	vld.idx.msk [tilespmem:v47+s4+$0x0], $0xffff  }
0xbe: {  	v0 =	vadd.s32 s12, v22;
	v26 =	vadd.s32 s12, v23;
	v27 =	vadd.s32 s12, v24;
	v32 =	vld.idx.msk [tilespmem:v38+s4+$0x0], $0xffff  }
0xbf: {  	v31 =	vadd.s32 s8, v20;
	v39 =	vadd.bf16 v52, v34;
	v34 =	vmovc v3;
	v3 =	vld.idx.msk [tilespmem:v25+s4+$0x0], $0xffff;
	v25 =	vunpack.i.l.bf16.f32 v55  }
0xc0: {  	s30 =	sadd.s32 $0x8, s30;
	v46 =	vadd.s32 s8, v22;
	v4 =	vadd.bf16 v4, v56;
	v56 =	vld.idx.msk [tilespmem:v59+s4+$0x0], $0xffff;
	v25 =	vadd.f32 v25, v16  }
0xc1: {  	s12 =	sadd.s32 $0xFFFFFFFC, s30;
	v38 =	vunpack.i.u.bf16.f32 v55;
	v58 =	vadd.bf16 v51, v39;
	v29 =	vadd.s32 v57, v50;
	v57 =	vld [tilespmem:$0x1FF00]  }
0xc2: {  	v52 =	vmov s12;
	v47 =	vadd.s32 s8, v21;
	v51 =	vadd.f32 v38, v16;
	v55 =	vld [tilespmem:$0x1FEF0];
	[tilespmem:v45+s25+$0x0] =	vst.idx.msk $0xffff, v25  }
0xc3: {  	s13 =	sadd.s32 $0xFFFFFFFE, s30;
	v49 =	vadd.bf16 v37, v49;
	v39 =	vadd.s32 v53, v44;
	v4 =	vadd.bf16 v4, v58;
	v58 =	vld.idx.msk [tilespmem:v60+s4+$0x0], $0xffff  }
0xc4: {  	v53 =	vmov s13;
	v12 =	vadd.bf16 v15, v12;
	v15 =	vadd.bf16 v30, v28;
	v59 =	vld.idx.msk [tilespmem:v61+s4+$0x0], $0xffff  }
0xc5: {  	v10 =	vld.idx.msk [tilespmem:v10+s4+$0x0], $0xffff;
	v38 =	vadd.s32 v54, v44;
	v5 =	vadd.bf16 v6, v5;
	v14 =	vadd.bf16 v56, v14  }
0xc6: {  	v60 =	vadd.bf16 v48, v32;
	[tilespmem:v29+s25+$0x0] =	vst.idx.msk $0xffff, v51;
	v12 =	vadd.bf16 v15, v12;
	v15 =	vshrl.u32 v53, $0x3  }
0xc7: {  	v37 =	vadd.s32 v55, v43;
	v3 =	vadd.bf16 v13, v3;
	v29 =	vld.idx.msk [tilespmem:v62+s4+$0x0], $0xffff;
	v15 =	vshll.u32 v15, v2  }
0xc8: {  	v43 =	vadd.s32 v57, v43;
	v57 =	vld [tilespmem:$0x1FF10];
	v56 =	vbroadcast v15, $0x0;
	v15 =	vshrl.u32 v52, $0x3  }
0xc9: {  	v3 =	vadd.bf16 v3, v60;
	v28 =	vadd.bf16 v59, v58;
	v58 =	vshll.u32 v15, v2;
	v15 =	vld [tilespmem:$0x1FF20]  }
0xca: {  	v7 =	vadd.bf16 v8, v7;
	v4 =	vmul.bf16 v1, v4;
	v25 =	vmul.bf16 v1, v49;
	v54 =	vld.idx.msk [tilespmem:v63+s4+$0x0], $0xffff  }
0xcb: {  	s2 =	sadd.s32 $0xFFFFFFFA, s30;
	v11 =	vld.idx.msk [tilespmem:v11+s4+$0x0], $0xffff;
	v61 =	vmov s30;
	v5 =	vadd.bf16 v14, v5;
	v3 =	vadd.bf16 v3, v12  }
0xcc: {  	[tilespmem:v33+s25+$0x0] =	vst.idx.msk $0xffff, v42;
	v0 =	vld.idx.msk [tilespmem:v0+s4+$0x0], $0xffff;
	v42 =	vunpack.i.u.bf16.f32 v4;
	v4 =	vunpack.i.l.bf16.f32 v4;
	v62 =	vmov s2  }
0xcd: {  	v48 =	vld.idx.msk [tilespmem:v26+s4+$0x0], $0xffff;
	v13 =	vshrl.u32 v61, $0x3;
	v30 =	vadd.s32 v57, v56;
	v3 =	vmul.bf16 v1, v3  }
0xce: {  	v51 =	vld.idx.msk [tilespmem:v27+s4+$0x0], $0xffff;
	v61 =	vunpack.i.l.bf16.f32 v25;
	v55 =	vshrl.u32 v62, $0x3;
	v12 =	vadd.s32 v15, v56  }
0xcf: {  	s9 =	sadd.s32 $0x4, s9;
	v63 =	vld [tilespmem:$0x1FF30];
	v13 =	vshll.u32 v13, v2;
	v59 =	vunpack.i.l.bf16.f32 v3;
	v15 =	vadd.bf16 v54, v29  }
0xd0: {  	p1 =	slt.u32 s9, $0xC;
	v53 =	vld.idx.msk [tilespmem:v40+s4+$0x0], $0xffff;
	v62 =	vadd.bf16 v10, v9;
	v3 =	vunpack.i.u.bf16.f32 v3;
	v26 =	vadd.f32 v59, v16  }
.Ltmp2:
0xd1: {  	v33 =	vmovc v43;
	v6 =	vshll.u32 v55, v2;
	v3 =	vadd.f32 v3, v16;
	v15 =	vadd.bf16 v15, v28;
	(pc) =	sbr.rel @p1 .LBB2_4-.Ltmp2, $4  }
0xd2: {  	v52 =	vld.idx.msk [tilespmem:v41+s4+$0x0], $0xffff;
	v60 =	vunpack.i.u.bf16.f32 v25;
	v50 =	vbroadcast v6, $0x0;
	v49 =	vadd.bf16 v62, v7;
	[tilespmem:v30+s25+$0x0] =	vst.idx.msk $0xffff, v26  }
0xd3: {  	v43 =	vbroadcast v13, $0x0;
	v44 =	vbroadcast v58, $0x0;
	v57 =	vld.idx.msk [tilespmem:v47+s4+$0x0], $0xffff;
	[tilespmem:v12+s25+$0x0] =	vst.idx.msk $0xffff, v3;
	v3 =	vadd.bf16 v15, v5  }
0xd4: {  	v45 =	vadd.s32 v63, v50;
	v58 =	vld.idx.msk [tilespmem:v46+s4+$0x0], $0xffff;
	v47 =	vadd.f32 v60, v16;
	v46 =	vadd.f32 v4, v16  }
0xd5: {  	s8 =	sadd.s32 $0x800, s8;
	v56 =	vld.idx.msk [tilespmem:v31+s4+$0x0], $0xffff;
	v59 =	vadd.f32 v61, v16;
	v54 =	vadd.bf16 v0, v11;
	v55 =	vmul.bf16 v1, v3  }
0xd6: {  	_ =	sdelay $0x3  }
0xd7: {  	v0 =	vld.idx.msk [tilespmem:v36+s4+$0x0], $0xffff  }
0xd8: {  	v3 =	vld.idx.msk [tilespmem:v35+s4+$0x0], $0xffff;
	_ =	sdelay $0x2  }
0xd9: {  	v4 =	vadd.bf16 v51, v48  }
0xda: {  	v5 =	vadd.bf16 v52, v34;
	v7 =	vadd.bf16 v58, v57  }
0xdb: {  	[tilespmem:v39+s25+$0x0] =	vst.idx.msk $0xffff, v59;
	v6 =	vadd.bf16 v56, v53;
	v0 =	vadd.bf16 v3, v0  }
0xdc: {  	[tilespmem:v38+s25+$0x0] =	vst.idx.msk $0xffff, v47;
	v3 =	vadd.bf16 v4, v54  }
0xdd: {  	v57 =	vunpack.i.l.bf16.f32 v55;
	v58 =	vld [tilespmem:$0x1FEC0];
	[tilespmem:v37+s25+$0x0] =	vst.idx.msk $0xffff, v46;
	v5 =	vadd.bf16 v6, v5;
	v0 =	vadd.bf16 v0, v7  }
0xde: {  	v8 =	vld [tilespmem:$0x1FED0];
	v4 =	vadd.f32 v57, v16  }
0xdf: {  	v61 =	vld [tilespmem:$0x1FEE0];
	v3 =	vadd.bf16 v3, v49;
	v0 =	vadd.bf16 v0, v5  }
0xe0: {  	v9 =	vld [tilespmem:$0x1FEF0];
	[tilespmem:v45+s25+$0x0] =	vst.idx.msk $0xffff, v4  }
0xe1: {  	v3 =	vmul.bf16 v1, v3;
	v0 =	vmul.bf16 v1, v0;
	v1 =	vld [tilespmem:$0x1FF00]  }
0xe2: {  	v6 =	vadd.s32 v58, v50  }
0xe3: {  	v8 =	vadd.s32 v8, v44  }
0xe4: {  	v10 =	vadd.f32 v42, v16;
	v59 =	vunpack.i.u.bf16.f32 v55;
	v7 =	vadd.s32 v61, v44  }
0xe5: {  	s11 =	sadd.s32 $0x1, s11;
	v60 =	vadd.f32 v59, v16;
	v9 =	vadd.s32 v9, v43;
	v62 =	vunpack.i.l.bf16.f32 v3  }
0xe6: {  	p1 =	sne.s32 s11, $0x8;
	v3 =	vunpack.i.u.bf16.f32 v3;
	[tilespmem:v33+s25+$0x0] =	vst.idx.msk $0xffff, v10;
	v4 =	vadd.f32 v62, v16;
	v11 =	vadd.s32 v1, v43  }
.Ltmp3:
0xe7: {  	v3 =	vadd.f32 v3, v16;
	[tilespmem:v6+s25+$0x0] =	vst.idx.msk $0xffff, v60;
	v63 =	vunpack.i.l.bf16.f32 v0;
	(pc) =	sbr.rel @p1 .LBB2_3-.Ltmp3, $4  }
0xe8: {  	v0 =	vunpack.i.u.bf16.f32 v0;
	v5 =	vadd.f32 v63, v16;
	[tilespmem:v8+s25+$0x0] =	vst.idx.msk $0xffff, v4  }
0xe9: {  	v0 =	vadd.f32 v0, v16;
	[tilespmem:v7+s25+$0x0] =	vst.idx.msk $0xffff, v3  }
0xea: {  	[tilespmem:v9+s25+$0x0] =	vst.idx.msk $0xffff, v5  }
0xeb: {  	v31 =	vlaneseq.u32;
	v1 =	vimm.bf16 $1.2500e-01;
	[tilespmem:v11+s25+$0x0] =	vst.idx.msk $0xffff, v0  }
0xec: {  	s2 =	smul.u32 $0x88, s29;
	_ =	sdelay $0x1  }
0xed: {  	v0 =	vmov s2  }
0xee: {  	v0 =	vbroadcast v0, $0x0;
	_ =	sdelay $0x2  }
0xef: {  	v3 =	vld [tilespmem:$0x1FF50];
	_ =	sdelay $0x2  }
0xf0: {  	v0 =	vld.idx.msk [tilespmem:v0+s16+$0x0], $0xffff;
	_ =	sdelay $0x4  }
0xf1: {  	[tilespmem:v3+s25+$0x0] =	vst.idx.msk $0xffff, v0;
	v3 =	vld [tilespmem:$0x1FF60];
	_ =	sdelay $0x2  }
0xf2: {  	s29 =	sshll.u32 s29, $0x7;
	s8 =	sshll.u32 s23, $0x8  }
0xf3: {  	s8 =	sand.u32 $0x7800, s8;
	s2 =	sand.u32 $0x380, s29  }
0xf4: {  	s2 =	sor.u32 s2, s8  }
0xf5: {  	s2 =	sor.u32 s10, s2  }
0xf6: {  	s2 =	sshrl.u32 s2, $0x3  }
0xf7: {  	s2 =	sadd.s32 s6, s2;
	[tilespmem:v3+s25+$0x0] =	vst.idx.msk $0xffff, v0  }
0xf8: {  	[hbm4b:s2+s14] =	stream.strided.scatter [tilespmem:s25], [sflag:$0x3], $0x400, s28, s14, $0x38;
	[tilespmem:$0xAD00] =	vst v63  }
0xf9: {  	s9 =	simm.s32 $0x7100;
	s30 =	sadd.s32 $0x80, s2  }
0xfa: {  	[hbm4b:s30+s14] =	stream.strided.scatter [tilespmem:s9], [sflag:$0x3], $0x400, s28, s14, $0x38;
	[tilespmem:$0xAD00] =	vst v63  }
0xfb: {  	s11 =	simm.s32 $0x7500;
	s9 =	sadd.s32 $0x8800, s2  }
0xfc: {  	[hbm4b:s9+s14] =	stream.strided.scatter [tilespmem:s11], [sflag:$0x3], $0x400, s28, s14, $0x38;
	[tilespmem:$0xAD00] =	vst v63  }
0xfd: {  	s13 =	simm.s32 $0x7900;
	s12 =	sadd.s32 $0x8880, s2  }
0xfe: {  	[hbm4b:s12+s14] =	stream.strided.scatter [tilespmem:s13], [sflag:$0x3], $0x400, s28, s14, $0x38;
	[tilespmem:$0xAD00] =	vst v63  }
0xff: {  	s29 =	simm.s32 $0x7D00;
	s23 =	sadd.s32 $0x11000, s2  }
0x100: {  	[hbm4b:s23+s14] =	stream.strided.scatter [tilespmem:s29], [sflag:$0x3], $0x400, s28, s14, $0x38;
	[tilespmem:$0xAD00] =	vst v63  }
0x101: {  	s8 =	sadd.s32 $0x80, s23  }
0x102: {  	[hbm4b:s8+s14] =	stream.strided.scatter [tilespmem:s18], [sflag:$0x3], $0x400, s28, s14, $0x38;
	[tilespmem:$0xAD00] =	vst v63  }
0x103: {  	s2 =	sadd.s32 $0x19800, s2  }
0x104: {  	[hbm4b:s2+s14] =	stream.strided.scatter [tilespmem:s20], [sflag:$0x3], $0x400, s28, s14, $0x38;
	[tilespmem:$0xAD00] =	vst v63  }
0x105: {  	p1 =	seq.s32 s19, $0xF;
	s8 =	sor.u32 $0x1, s21;
	s2 =	sadd.s32 $0x80, s2  }
0x106: {  	[hbm4b:s2+s14] =	stream.strided.scatter [tilespmem:s22], [sflag:$0x3], $0x400, s28, s14, $0x38;
	[tilespmem:$0xAD00] =	vst v63  }
0x107: {  	s2 =	sor.u32 @!p1 s7, s8  }
0x108: {  	s2 =	sadd.s32 @!p1 $0x1, s2  }
0x109: {  	s11 =	simm.s32 @!p1 $0x2000;
	s9 =	sshll.u32 @!p1 s2, $0x4  }
0x10a: {  	_ =	swait.ge [sflag:s24], $0x400;
	s2 =	sshll.u32 @!p1 s2, $0x7;
	s9 =	sand.u32 @!p1 $0x60, s9  }
0x10b: {  	[sflag:s24] =	ssyncset.done $0x0;
	s2 =	sand.u32 @!p1 $0xFFFFC00, s2;
	s9 =	sadd.s32 @!p1 s1, s9  }
0x10c: {  	[sflag:s24] =	ssyncadd.s32 $0xFFFFFC00;
	s2 =	sadd.s32 @!p1 s2, s9;
	s9 =	simm.s32 @!p1 $0x0  }
0x10d: {  	[tilespmem:s11], [sflag:$0x1] =	stream.linear.gather @!p1 [hbm4b:s2+s9], $0x80, $0x38;
	[tilespmem:$0xAD00] =	vst v63  }
0x10e: {  	s12 =	simm.s32 @!p1 $0x2100;
	s11 =	sadd.s32 @!p1 $0x80, s2  }
0x10f: {  	[tilespmem:s12], [sflag:$0x1] =	stream.linear.gather @!p1 [hbm4b:s11+s9], $0x80, $0x38;
	[tilespmem:$0xAD00] =	vst v63  }
0x110: {  	s11 =	sadd.s32 @!p1 $0x100, s2;
	s12 =	simm.s32 @!p1 $0x2200  }
0x111: {  	[tilespmem:s12], [sflag:$0x1] =	stream.linear.gather @!p1 [hbm4b:s11+s9], $0x80, $0x38;
	[tilespmem:$0xAD00] =	vst v63  }
0x112: {  	s11 =	sadd.s32 @!p1 $0x180, s2;
	s12 =	simm.s32 @!p1 $0x2300  }
0x113: {  	[tilespmem:s12], [sflag:$0x1] =	stream.linear.gather @!p1 [hbm4b:s11+s9], $0x80, $0x38;
	[tilespmem:$0xAD00] =	vst v63  }
0x114: {  	s11 =	sadd.s32 @!p1 $0x200, s2;
	s12 =	simm.s32 @!p1 $0x2400  }
0x115: {  	[tilespmem:s12], [sflag:$0x1] =	stream.linear.gather @!p1 [hbm4b:s11+s9], $0x80, $0x38;
	[tilespmem:$0xAD00] =	vst v63  }
0x116: {  	s11 =	sadd.s32 @!p1 $0x280, s2;
	s12 =	simm.s32 @!p1 $0x2500  }
0x117: {  	[tilespmem:s12], [sflag:$0x1] =	stream.linear.gather @!p1 [hbm4b:s11+s9], $0x80, $0x38;
	[tilespmem:$0xAD00] =	vst v63  }
0x118: {  	s30 =	sor.u32 s5, s8;
	s11 =	sadd.s32 @!p1 $0x300, s2;
	s12 =	simm.s32 @!p1 $0x2600  }
0x119: {  	[tilespmem:s12], [sflag:$0x1] =	stream.linear.gather @!p1 [hbm4b:s11+s9], $0x80, $0x38;
	[tilespmem:$0xAD00] =	vst v63  }
0x11a: {  	s21 =	sadd.s32 $0x1, s30;
	s2 =	sadd.s32 @!p1 $0x380, s2;
	s11 =	simm.s32 @!p1 $0x2700  }
0x11b: {  	[tilespmem:s11], [sflag:$0x1] =	stream.linear.gather @!p1 [hbm4b:s2+s9], $0x80, $0x38;
	[tilespmem:$0xAD00] =	vst v63  }
0x11c: {  	s2 =	smul.u32 $0x220, s21  }
0x11d: {  	p2 =	seq.s32 @!p1 s19, $0x0  }
0x11e: {  	p1 =	por p1, !p2;
	s2 =	sshra.s32 s2, $0x2  }
0x11f: {  	_ =	swait.ge @p1 [sflag:s17], $0x2000;
	s2 =	sadd.s32 $0x2801, s2  }
0x120: {  	[sflag:s17] =	ssyncset.done @p1 $0x0;
	v0 =	vmov s2  }
0x121: {  	s11 =	simm.s32 $0x0;
	[sflag:s17] =	ssyncadd.s32 @p1 $0xFFFFE000;
	[tilespmem:$0x1FEB0] =	vst v0  }
.LBB2_7:
0x122: {  	s2 =	sshll.u32 s11, $0x4  }
0x123: {  	v17 =	vld [tilespmem:s2+$0x2080]  }
0x124: {  	v6 =	vld [tilespmem:$0x1FEB0]  }
0x125: {  	v18 =	vld [tilespmem:s2+$0x2180]  }
0x126: {  	v19 =	vld [tilespmem:s2+$0x2280]  }
0x127: {  	s8 =	simm.s32 $0x600;
	v20 =	vld [tilespmem:s2+$0x2380]  }
0x128: {  	s9 =	simm.s32 $0x400;
	v21 =	vld [tilespmem:s2+$0x2480];
	v0 =	vadd.s32 s8, v17  }
0x129: {  	v23 =	vld [tilespmem:s2+$0x2680];
	v3 =	vadd.s32 s9, v17  }
0x12a: {  	v24 =	vld [tilespmem:s2+$0x2780];
	v4 =	vadd.s32 s9, v18  }
0x12b: {  	v22 =	vld [tilespmem:s2+$0x2580];
	v5 =	vadd.s32 s9, v19  }
0x12c: {  	v50 =	vadd.s32 s9, v20;
	v16 =	vld.idx.msk [tilespmem:v6+s2+$0x0 ss:$0x1], $0xffff  }
0x12d: {  	v7 =	vadd.s32 s9, v21;
	v33 =	vld.idx.msk [tilespmem:v0+s4+$0x0], $0xffff  }
0x12e: {  	v8 =	vadd.s32 s9, v23;
	v0 =	vld.idx.msk [tilespmem:v3+s4+$0x0], $0xffff  }
0x12f: {  	s12 =	simm.s32 $0x0;
	v9 =	vadd.s32 s9, v24;
	v4 =	vld.idx.msk [tilespmem:v4+s4+$0x0], $0xffff  }
0x130: {  	v10 =	vadd.s32 s12, v17;
	v5 =	vld.idx.msk [tilespmem:v5+s4+$0x0], $0xffff  }
0x131: {  	v11 =	vadd.s32 s12, v18;
	v6 =	vld.idx.msk [tilespmem:v50+s4+$0x0], $0xffff  }
0x132: {  	v13 =	vadd.s32 s12, v19;
	v7 =	vld.idx.msk [tilespmem:v7+s4+$0x0], $0xffff  }
0x133: {  	v27 =	vadd.s32 s12, v20;
	v8 =	vld.idx.msk [tilespmem:v8+s4+$0x0], $0xffff  }
0x134: {  	v34 =	vadd.s32 s12, v21;
	v9 =	vld.idx.msk [tilespmem:v9+s4+$0x0], $0xffff  }
0x135: {  	s30 =	simm.s32 $0x200;
	s13 =	simm.s32 $0x2;
	s23 =	simm.s32 $0x4;
	v32 =	vimm.bf16 $1.2500e-01;
	v35 =	vadd.s32 s12, v24;
	v10 =	vld.idx.msk [tilespmem:v10+s4+$0x0], $0xffff  }
0x136: {  	v57 =	vmov s13;
	v58 =	vmov s23;
	v36 =	vadd.s32 s30, v17;
	v11 =	vld.idx.msk [tilespmem:v11+s4+$0x0], $0xffff  }
0x137: {  	v59 =	vshrl.u32 v58, $0x3;
	v62 =	vshrl.u32 v57, $0x3;
	v42 =	vadd.s32 s30, v20;
	v13 =	vld.idx.msk [tilespmem:v13+s4+$0x0], $0xffff  }
0x138: {  	v63 =	vshll.u32 v62, v2;
	v51 =	vadd.s32 s12, v22;
	v43 =	vadd.s32 s30, v21;
	v37 =	vld.idx.msk [tilespmem:v27+s4+$0x0], $0xffff  }
0x139: {  	v52 =	vadd.s32 s12, v23;
	v38 =	vadd.s32 s30, v18;
	v44 =	vadd.s32 s30, v22;
	v34 =	vld.idx.msk [tilespmem:v34+s4+$0x0], $0xffff  }
0x13a: {  	v39 =	vadd.s32 s8, v18;
	v40 =	vadd.s32 s8, v19;
	v41 =	vadd.s32 s30, v19;
	v35 =	vld.idx.msk [tilespmem:v35+s4+$0x0], $0xffff  }
0x13b: {  	s29 =	simm.s32 $0xC00;
	v45 =	vadd.s32 s30, v23;
	v46 =	vadd.s32 s30, v24;
	v47 =	vadd.s32 s8, v20;
	v36 =	vld.idx.msk [tilespmem:v36+s4+$0x0], $0xffff  }
0x13c: {  	v48 =	vadd.s32 s8, v21;
	v49 =	vadd.s32 s8, v22;
	s12 =	simm.s32 $0x0;
	v57 =	vadd.s32 s29, v21;
	s2 =	sor.u32 $0x1, s2;
	v42 =	vld.idx.msk [tilespmem:v42+s4+$0x0], $0xffff  }
0x13d: {  	v58 =	vadd.s32 s29, v22;
	v56 =	vmov s12;
	s12 =	simm.s32 $0x800;
	v12 =	vadd.s32 s2, v31;
	v60 =	vld.idx.msk [tilespmem:v43+s4+$0x0], $0xffff  }
0x13e: {  	v62 =	vadd.s32 s12, v18;
	v14 =	vshll.u32 v12, $0x3;
	v3 =	vadd.s32 s9, v22;
	v61 =	vld.idx.msk [tilespmem:v44+s4+$0x0], $0xffff  }
0x13f: {  	v12 =	vand.u32 $0x7F, v12;
	v14 =	vand.u32 $0x7FFFFC00, v14;
	v50 =	vadd.s32 s8, v23;
	s9 =	simm.s32 $0x6;
	v39 =	vld.idx.msk [tilespmem:v39+s4+$0x0], $0xffff  }
0x140: {  	v29 =	vor.u32 v12, v14;
	v12 =	vld.idx.msk [tilespmem:v51+s4+$0x0], $0xffff;
	v51 =	vadd.s32 s8, v24;
	v55 =	vmov s9  }
0x141: {  	v43 =	vld.idx.msk [tilespmem:v48+s4+$0x0], $0xffff;
	v28 =	vor.u32 $0x80, v29;
	v25 =	vor.u32 $0x100, v29;
	v15 =	vor.u32 $0x180, v29  }
0x142: {  	v14 =	vld.idx.msk [tilespmem:v52+s4+$0x0], $0xffff;
	v30 =	vor.u32 $0x200, v29;
	v31 =	vor.u32 $0x280, v29;
	v27 =	vor.u32 $0x300, v29  }
0x143: {  	v26 =	vor.u32 $0x380, v29;
	v3 =	vld.idx.msk [tilespmem:v3+s4+$0x0], $0xffff;
	v0 =	vadd.bf16 v4, v0;
	v53 =	vadd.bf16 v6, v5  }
0x144: {  	v5 =	vld.idx.msk [tilespmem:v38+s4+$0x0], $0xffff;
	v54 =	vadd.bf16 v9, v8;
	v10 =	vadd.bf16 v11, v10;
	v9 =	vshrl.u32 v56, $0x3  }
0x145: {  	v4 =	vshll.u32 v59, v2;
	v13 =	vadd.bf16 v37, v13;
	v37 =	vld.idx.msk [tilespmem:v40+s4+$0x0], $0xffff;
	v56 =	vadd.s32 s29, v20  }
0x146: {  	v40 =	vld.idx.msk [tilespmem:v47+s4+$0x0], $0xffff;
	v59 =	vadd.s32 s29, v23;
	v6 =	vadd.bf16 v61, v60;
	v60 =	vadd.s32 s29, v24  }
0x147: {  	v61 =	vadd.s32 s12, v17;
	v47 =	vld.idx.msk [tilespmem:v57+s4+$0x0], $0xffff;
	v33 =	vadd.bf16 v39, v33;
	v57 =	vadd.s32 s12, v21  }
0x148: {  	v8 =	vld.idx.msk [tilespmem:v41+s4+$0x0], $0xffff;
	v9 =	vshll.u32 v9, v2;
	v12 =	vadd.bf16 v12, v34;
	v14 =	vadd.bf16 v35, v14  }
0x149: {  	v38 =	vld.idx.msk [tilespmem:v46+s4+$0x0], $0xffff;
	v0 =	vadd.bf16 v53, v0;
	v10 =	vadd.bf16 v13, v10;
	v9 =	vbroadcast v9, $0x0  }
0x14a: {  	s30 =	simm.s32 $0xE00;
	v41 =	vld.idx.msk [tilespmem:v58+s4+$0x0], $0xffff;
	v53 =	vadd.s32 s29, v17;
	v13 =	vbroadcast v63, $0x0;
	v63 =	vadd.s32 s12, v20  }
0x14b: {  	v12 =	vadd.bf16 v14, v12;
	v14 =	vld.idx.msk [tilespmem:v50+s4+$0x0], $0xffff;
	v50 =	vadd.s32 s30, v17;
	v48 =	vadd.s32 v29, v9  }
0x14c: {  	v35 =	vld.idx.msk [tilespmem:v49+s4+$0x0], $0xffff;
	v9 =	vadd.s32 v28, v9;
	v3 =	vadd.bf16 v3, v7;
	v5 =	vadd.bf16 v5, v36  }
0x14d: {  	v7 =	vshrl.u32 v55, $0x3;
	v8 =	vadd.bf16 v42, v8;
	v42 =	vld.idx.msk [tilespmem:v51+s4+$0x0], $0xffff;
	v10 =	vadd.bf16 v12, v10  }
0x14e: {  	s13 =	simm.s32 $0xA00;
	v55 =	vadd.s32 s29, v19;
	v37 =	vadd.bf16 v40, v37;
	v58 =	vld.idx.msk [tilespmem:v59+s4+$0x0], $0xffff;
	v3 =	vadd.bf16 v54, v3  }
0x14f: {  	v59 =	vadd.s32 s12, v22;
	v36 =	vld.idx.msk [tilespmem:v62+s4+$0x0], $0xffff;
	v51 =	vadd.s32 s13, v19;
	v54 =	vadd.s32 s29, v18  }
0x150: {  	v62 =	vadd.bf16 v41, v47;
	v0 =	vadd.bf16 v3, v0;
	v3 =	vbroadcast v4, $0x0;
	v4 =	vld.idx.msk [tilespmem:v45+s4+$0x0], $0xffff  }
0x151: {  	s23 =	simm.s32 $0xC;
	v11 =	vld.idx.msk [tilespmem:v60+s4+$0x0], $0xffff;
	v41 =	vadd.s32 s13, v23;
	v40 =	vadd.s32 s13, v24;
	v47 =	vadd.s32 s30, v20  }
0x152: {  	v39 =	vld.idx.msk [tilespmem:v57+s4+$0x0], $0xffff;
	v57 =	vmov s23;
	v7 =	vshll.u32 v7, v2;
	v35 =	vadd.bf16 v35, v43  }
0x153: {  	v43 =	vadd.s32 s12, v23;
	v12 =	vld.idx.msk [tilespmem:v53+s4+$0x0], $0xffff;
	v7 =	vbroadcast v7, $0x0;
	v5 =	vadd.bf16 v8, v5  }
0x154: {  	v10 =	vmul.bf16 v1, v10;
	v53 =	vadd.s32 s30, v19;
	v44 =	vld.idx.msk [tilespmem:v54+s4+$0x0], $0xffff;
	v54 =	vadd.s32 s12, v19  }
0x155: {  	v46 =	vld.idx.msk [tilespmem:v56+s4+$0x0], $0xffff;
	v33 =	vadd.bf16 v37, v33;
	v37 =	vadd.s32 s13, v18;
	v4 =	vadd.bf16 v38, v4  }
0x156: {  	v8 =	vld.idx.msk [tilespmem:v55+s4+$0x0], $0xffff;
	v14 =	vadd.bf16 v42, v14;
	v42 =	vadd.s32 s12, v24;
	v55 =	vadd.s32 s13, v17  }
0x157: {  	v11 =	vadd.bf16 v11, v58;
	v0 =	vmul.bf16 v1, v0;
	v4 =	vadd.bf16 v4, v6;
	v6 =	vld.idx.msk [tilespmem:v61+s4+$0x0], $0xffff  }
0x158: {  	v58 =	vadd.s32 s30, v22;
	v34 =	vadd.s32 v30, v3;
	v3 =	vadd.s32 v31, v3;
	v61 =	vld.idx.msk [tilespmem:v63+s4+$0x0], $0xffff  }
0x159: {  	v14 =	vadd.bf16 v14, v35;
	v11 =	vadd.bf16 v11, v62;
	v52 =	vunpack.i.l.bf16.f32 v0;
	v60 =	vld.idx.msk [tilespmem:v54+s4+$0x0], $0xffff  }
0x15a: {  	v35 =	vadd.s32 s30, v24;
	v0 =	vunpack.i.u.bf16.f32 v0;
	v45 =	vadd.f32 v52, v16  }
0x15b: {  	v43 =	vld.idx.msk [tilespmem:v43+s4+$0x0], $0xffff;
	v0 =	vadd.f32 v0, v16;
	v52 =	vadd.s32 s30, v18;
	v14 =	vadd.bf16 v14, v33  }
0x15c: {  	v38 =	vadd.s32 v15, v13;
	v8 =	vadd.bf16 v46, v8;
	v63 =	vld.idx.msk [tilespmem:v59+s4+$0x0], $0xffff;
	v12 =	vadd.bf16 v44, v12  }
0x15d: {  	v33 =	vadd.s32 v26, v7;
	v46 =	vadd.s32 s13, v22;
	v42 =	vld.idx.msk [tilespmem:v42+s4+$0x0], $0xffff;
	v4 =	vadd.bf16 v4, v5  }
0x15e: {  	v54 =	vadd.s32 s13, v20;
	v8 =	vadd.bf16 v8, v12;
	v5 =	vadd.bf16 v61, v60;
	v61 =	vld.idx.msk [tilespmem:v55+s4+$0x0], $0xffff;
	[tilespmem:$0x1FE50] =	vst v28  }
0x15f: {  	v44 =	vadd.s32 s13, v21;
	v12 =	vadd.s32 s30, v21;
	v4 =	vmul.bf16 v1, v4;
	v62 =	vld.idx.msk [tilespmem:v37+s4+$0x0], $0xffff;
	[tilespmem:$0x1FE60] =	vst v25  }
0x160: {  	v6 =	vadd.bf16 v36, v6;
	v8 =	vadd.bf16 v11, v8;
	v60 =	vunpack.i.l.bf16.f32 v10;
	[tilespmem:$0x1FE70] =	vst v15  }
0x161: {  	v56 =	vadd.bf16 v63, v39;
	v39 =	vadd.s32 v25, v13;
	v11 =	vadd.f32 v60, v16;
	[tilespmem:$0x1FE80] =	vst v27  }
0x162: {  	v37 =	vadd.s32 v27, v7;
	v60 =	vshrl.u32 v57, $0x3;
	v5 =	vadd.bf16 v5, v6;
	v6 =	vld.idx.msk [tilespmem:v51+s4+$0x0], $0xffff  }
0x163: {  	v36 =	vadd.s32 s30, v23;
	v7 =	vmul.bf16 v1, v14;
	v59 =	vld.idx.msk [tilespmem:v54+s4+$0x0], $0xffff;
	[tilespmem:$0x1FE90] =	vst v26;
	v14 =	vshll.u32 v60, v2  }
0x164: {  	v63 =	vadd.bf16 v42, v43;
	s30 =	simm.s32 $0xA;
	v10 =	vunpack.i.u.bf16.f32 v10;
	[tilespmem:v34+s26+$0x0] =	vst.idx.msk $0xffff, v45;
	v14 =	vbroadcast v14, $0x0  }
0x165: {  	v10 =	vadd.f32 v10, v16;
	v8 =	vmul.bf16 v1, v8;
	[tilespmem:v3+s26+$0x0] =	vst.idx.msk $0xffff, v0;
	v3 =	vmov s30  }
0x166: {  	s29 =	simm.s32 $0x8;
	v0 =	vadd.bf16 v63, v56;
	v57 =	vadd.s32 v30, v14;
	v3 =	vshrl.u32 v3, $0x3  }
0x167: {  	s23 =	simm.s32 $0xE;
	v34 =	vld.idx.msk [tilespmem:v50+s4+$0x0], $0xffff;
	[tilespmem:$0x1FEA0] =	vst v30;
	v14 =	vadd.s32 v31, v14;
	v42 =	vadd.bf16 v62, v61;
	v61 =	vmov s29  }
0x168: {  	v62 =	vmov s23;
	v54 =	vld.idx.msk [tilespmem:v44+s4+$0x0], $0xffff;
	v3 =	vshll.u32 v3, v2;
	v0 =	vadd.bf16 v0, v5  }
0x169: {  	v60 =	vld.idx.msk [tilespmem:v46+s4+$0x0], $0xffff;
	v49 =	vshrl.u32 v61, $0x3;
	v6 =	vadd.bf16 v59, v6;
	v59 =	vshrl.u32 v62, $0x3  }
0x16a: {  	[tilespmem:v48+s26+$0x0] =	vst.idx.msk $0xffff, v11;
	v48 =	vld.idx.msk [tilespmem:v41+s4+$0x0], $0xffff;
	v61 =	vunpack.i.l.bf16.f32 v8;
	v8 =	vunpack.i.u.bf16.f32 v8;
	v62 =	vunpack.i.u.bf16.f32 v4  }
0x16b: {  	v1 =	vmovc v31;
	v31 =	vmovc v29;
	v51 =	vld.idx.msk [tilespmem:v40+s4+$0x0], $0xffff;
	v4 =	vunpack.i.l.bf16.f32 v4;
	v44 =	vbroadcast v3, $0x0;
	v63 =	vshll.u32 v49, v2  }
0x16c: {  	v52 =	vld.idx.msk [tilespmem:v52+s4+$0x0], $0xffff;
	v11 =	vshll.u32 v59, v2;
	v5 =	vadd.f32 v61, v16;
	v8 =	vadd.f32 v8, v16  }
0x16d: {  	v56 =	vld.idx.msk [tilespmem:v47+s4+$0x0], $0xffff;
	v59 =	vadd.f32 v4, v16;
	v55 =	vmul.bf16 v32, v0;
	v47 =	vadd.f32 v62, v16  }
0x16e: {  	v53 =	vld.idx.msk [tilespmem:v53+s4+$0x0], $0xffff;
	[tilespmem:v9+s26+$0x0] =	vst.idx.msk $0xffff, v10;
	v49 =	vadd.bf16 v6, v42;
	v50 =	vbroadcast v63, $0x0;
	v63 =	vunpack.i.l.bf16.f32 v7  }
0x16f: {  	v58 =	vld.idx.msk [tilespmem:v58+s4+$0x0], $0xffff;
	v42 =	vunpack.i.u.bf16.f32 v7;
	v43 =	vbroadcast v11, $0x0;
	[tilespmem:v57+s26+$0x0] =	vst.idx.msk $0xffff, v5;
	v46 =	vadd.f32 v63, v16  }
0x170: {  	s9 =	simm.s32 $0x4;
	s8 =	simm.s32 $0x1600;
	v57 =	vld.idx.msk [tilespmem:v12+s4+$0x0], $0xffff;
	[tilespmem:v14+s26+$0x0] =	vst.idx.msk $0xffff, v8;
	v54 =	vadd.bf16 v60, v54;
	v45 =	vadd.s32 v29, v50  }
.LBB2_8:
0x171: {  	s13 =	sadd.s32 $0xFFFFFE00, s8;
	v0 =	vadd.s32 s8, v17  }
0x172: {  	v6 =	vadd.s32 s13, v17  }
0x173: {  	v3 =	vld.idx.msk [tilespmem:v36+s4+$0x0], $0xffff;
	v10 =	vadd.s32 s13, v18  }
0x174: {  	v7 =	vld.idx.msk [tilespmem:v35+s4+$0x0], $0xffff;
	v13 =	vadd.s32 s13, v19  }
0x175: {  	[tilespmem:v37+s26+$0x0] =	vst.idx.msk $0xffff, v46;
	v36 =	vadd.s32 s13, v21;
	v53 =	vadd.bf16 v56, v53;
	v56 =	vld [tilespmem:$0x1FE50]  }
0x176: {  	v37 =	vadd.s32 s13, v22;
	v0 =	vld.idx.msk [tilespmem:v0+s4+$0x0], $0xffff  }
0x177: {  	s2 =	sadd.s32 $0xFFFFFA00, s8;
	[tilespmem:v39+s26+$0x0] =	vst.idx.msk $0xffff, v59;
	v39 =	vadd.s32 s13, v24;
	v6 =	vld.idx.msk [tilespmem:v6+s4+$0x0], $0xffff  }
0x178: {  	v4 =	vadd.s32 s2, v17;
	v10 =	vld.idx.msk [tilespmem:v10+s4+$0x0], $0xffff  }
0x179: {  	v5 =	vadd.s32 s2, v18;
	v13 =	vld.idx.msk [tilespmem:v13+s4+$0x0], $0xffff  }
0x17a: {  	v41 =	vadd.s32 s8, v18;
	v40 =	vadd.s32 s8, v19;
	v8 =	vadd.s32 s2, v19;
	v30 =	vld.idx.msk [tilespmem:v36+s4+$0x0], $0xffff  }
0x17b: {  	v29 =	vadd.s32 s8, v20;
	v9 =	vadd.s32 s2, v20;
	v48 =	vadd.bf16 v51, v48;
	v51 =	vld.idx.msk [tilespmem:v37+s4+$0x0], $0xffff  }
0x17c: {  	v35 =	vadd.s32 s8, v24;
	[tilespmem:v38+s26+$0x0] =	vst.idx.msk $0xffff, v47;
	v47 =	vadd.s32 s13, v20;
	v3 =	vadd.bf16 v7, v3;
	v7 =	vld.idx.msk [tilespmem:v39+s4+$0x0], $0xffff  }
0x17d: {  	v42 =	vadd.f32 v42, v16;
	v11 =	vadd.s32 s2, v21;
	v12 =	vadd.s32 s2, v22;
	v4 =	vld.idx.msk [tilespmem:v4+s4+$0x0], $0xffff  }
0x17e: {  	s12 =	sadd.s32 $0xFFFFFC00, s8;
	v14 =	vadd.s32 s2, v23;
	v59 =	vadd.s32 s2, v24;
	v38 =	vadd.s32 s13, v23;
	v5 =	vld.idx.msk [tilespmem:v5+s4+$0x0], $0xffff  }
0x17f: {  	v60 =	vadd.s32 s12, v17;
	v61 =	vadd.s32 s12, v18;
	v62 =	vadd.s32 s12, v19;
	v8 =	vld.idx.msk [tilespmem:v8+s4+$0x0], $0xffff  }
0x180: {  	v63 =	vadd.s32 s12, v20;
	v25 =	vadd.s32 s12, v22;
	v48 =	vadd.bf16 v48, v54;
	v9 =	vld.idx.msk [tilespmem:v9+s4+$0x0], $0xffff  }
0x181: {  	v15 =	vadd.s32 s12, v21;
	v26 =	vadd.s32 s12, v23;
	v52 =	vadd.bf16 v52, v34;
	v28 =	vld.idx.msk [tilespmem:v47+s4+$0x0], $0xffff  }
0x182: {  	v27 =	vadd.s32 s12, v24;
	v37 =	vunpack.i.u.bf16.f32 v55;
	v48 =	vadd.bf16 v48, v49;
	v49 =	vld [tilespmem:$0x1FE70]  }
0x183: {  	v52 =	vadd.bf16 v53, v52;
	v54 =	vadd.f32 v37, v16;
	v34 =	vmovc v0;
	v0 =	vld.idx.msk [tilespmem:v38+s4+$0x0], $0xffff;
	v38 =	vunpack.i.l.bf16.f32 v55  }
0x184: {  	v50 =	vadd.s32 v56, v50;
	v55 =	vadd.bf16 v58, v57;
	v58 =	vld [tilespmem:$0x1FE60];
	v57 =	vadd.f32 v38, v16  }
0x185: {  	v46 =	vadd.s32 s8, v22;
	v25 =	vld.idx.msk [tilespmem:v25+s4+$0x0], $0xffff;
	v6 =	vadd.bf16 v10, v6;
	v4 =	vadd.bf16 v5, v4  }
0x186: {  	s23 =	sadd.s32 $0x8, s23;
	v36 =	vadd.s32 s8, v23;
	v56 =	vld [tilespmem:$0x1FE90];
	v8 =	vadd.bf16 v9, v8;
	v3 =	vadd.bf16 v3, v55  }
0x187: {  	s13 =	sadd.s32 $0xFFFFFFFA, s23;
	v47 =	vadd.s32 s8, v21;
	v55 =	vld [tilespmem:$0x1FE80];
	v38 =	vadd.s32 v49, v44;
	[tilespmem:v45+s26+$0x0] =	vst.idx.msk $0xffff, v57;
	v57 =	vadd.bf16 v28, v13  }
0x188: {  	s30 =	sadd.s32 $0xFFFFFFFE, s23;
	v28 =	vmov s13;
	v4 =	vadd.bf16 v8, v4;
	v3 =	vadd.bf16 v3, v52;
	v11 =	vld.idx.msk [tilespmem:v11+s4+$0x0], $0xffff  }
0x189: {  	v12 =	vld.idx.msk [tilespmem:v12+s4+$0x0], $0xffff;
	[tilespmem:v50+s26+$0x0] =	vst.idx.msk $0xffff, v54;
	v52 =	vmov s30;
	v39 =	vadd.s32 v58, v44;
	v44 =	vmul.bf16 v32, v48  }
0x18a: {  	s29 =	sadd.s32 $0xFFFFFFFC, s23;
	v58 =	vadd.bf16 v51, v30;
	v0 =	vadd.bf16 v7, v0;
	v7 =	vmov s23;
	v14 =	vld.idx.msk [tilespmem:v14+s4+$0x0], $0xffff  }
0x18b: {  	v30 =	vmov s29;
	v53 =	vld.idx.msk [tilespmem:v59+s4+$0x0], $0xffff;
	v6 =	vadd.bf16 v57, v6;
	v54 =	vshrl.u32 v52, $0x3  }
0x18c: {  	v37 =	vadd.s32 v55, v43;
	v55 =	vshrl.u32 v28, $0x3;
	v28 =	vshrl.u32 v30, $0x3;
	v30 =	vld [tilespmem:$0x1FEA0]  }
0x18d: {  	v57 =	vld.idx.msk [tilespmem:v61+s4+$0x0], $0xffff;
	v3 =	vmul.bf16 v32, v3;
	v10 =	vshll.u32 v54, v2;
	v0 =	vadd.bf16 v0, v58  }
0x18e: {  	[tilespmem:v33+s26+$0x0] =	vst.idx.msk $0xffff, v42;
	v59 =	vld.idx.msk [tilespmem:v62+s4+$0x0], $0xffff;
	v7 =	vshrl.u32 v7, $0x3;
	v43 =	vadd.s32 v56, v43;
	v58 =	vbroadcast v10, $0x0  }
0x18f: {  	v61 =	vld.idx.msk [tilespmem:v15+s4+$0x0], $0xffff;
	v7 =	vshll.u32 v7, v2;
	v62 =	vunpack.i.l.bf16.f32 v44;
	v0 =	vadd.bf16 v0, v6  }
0x190: {  	v56 =	vld.idx.msk [tilespmem:v60+s4+$0x0], $0xffff;
	v5 =	vshll.u32 v55, v2;
	v15 =	vshll.u32 v28, v2;
	v42 =	vunpack.i.u.bf16.f32 v3  }
0x191: {  	v60 =	vld.idx.msk [tilespmem:v63+s4+$0x0], $0xffff;
	v3 =	vunpack.i.l.bf16.f32 v3;
	v0 =	vmul.bf16 v32, v0;
	v30 =	vadd.s32 v30, v58  }
0x192: {  	v33 =	vmovc v43;
	v43 =	vbroadcast v7, $0x0;
	v11 =	vadd.bf16 v12, v11;
	v6 =	vadd.s32 v1, v58  }
0x193: {  	s9 =	sadd.s32 $0x4, s9;
	v48 =	vld.idx.msk [tilespmem:v26+s4+$0x0], $0xffff;
	v50 =	vbroadcast v5, $0x0;
	v14 =	vadd.bf16 v53, v14;
	v28 =	vunpack.i.l.bf16.f32 v0  }
0x194: {  	p1 =	slt.u32 s9, $0xC;
	v51 =	vld.idx.msk [tilespmem:v27+s4+$0x0], $0xffff;
	v54 =	vadd.bf16 v25, v61;
	v0 =	vunpack.i.u.bf16.f32 v0;
	v26 =	vadd.f32 v28, v16  }
.Ltmp4:
0x195: {  	v52 =	vld.idx.msk [tilespmem:v41+s4+$0x0], $0xffff;
	v45 =	vadd.s32 v31, v50;
	v11 =	vadd.bf16 v14, v11;
	v0 =	vadd.f32 v0, v16;
	(pc) =	sbr.rel @p1 .LBB2_8-.Ltmp4, $4  }
0x196: {  	v53 =	vld.idx.msk [tilespmem:v40+s4+$0x0], $0xffff;
	v9 =	vadd.bf16 v57, v56;
	v63 =	vadd.bf16 v60, v59;
	[tilespmem:v30+s26+$0x0] =	vst.idx.msk $0xffff, v26  }
0x197: {  	v56 =	vld.idx.msk [tilespmem:v29+s4+$0x0], $0xffff;
	v59 =	vadd.f32 v62, v16;
	[tilespmem:v6+s26+$0x0] =	vst.idx.msk $0xffff, v0;
	v0 =	vadd.bf16 v11, v4  }
0x198: {  	v58 =	vld.idx.msk [tilespmem:v46+s4+$0x0], $0xffff;
	v46 =	vadd.f32 v3, v16;
	v28 =	vunpack.i.u.bf16.f32 v44;
	v44 =	vbroadcast v15, $0x0  }
0x199: {  	s8 =	sadd.s32 $0x800, s8;
	v57 =	vld.idx.msk [tilespmem:v47+s4+$0x0], $0xffff;
	v49 =	vadd.bf16 v63, v9;
	v47 =	vadd.f32 v28, v16;
	v55 =	vmul.bf16 v32, v0  }
0x19a: {  	_ =	sdelay $0x3  }
0x19b: {  	v0 =	vld.idx.msk [tilespmem:v36+s4+$0x0], $0xffff  }
0x19c: {  	v3 =	vld.idx.msk [tilespmem:v35+s4+$0x0], $0xffff;
	_ =	sdelay $0x2  }
0x19d: {  	v4 =	vadd.bf16 v51, v48;
	[tilespmem:v39+s26+$0x0] =	vst.idx.msk $0xffff, v59  }
0x19e: {  	v5 =	vadd.bf16 v52, v34;
	[tilespmem:v38+s26+$0x0] =	vst.idx.msk $0xffff, v47;
	v6 =	vadd.bf16 v56, v53  }
0x19f: {  	v1 =	vld [tilespmem:$0x1FE50];
	[tilespmem:v37+s26+$0x0] =	vst.idx.msk $0xffff, v46;
	v7 =	vadd.bf16 v58, v57;
	v57 =	vunpack.i.l.bf16.f32 v55;
	v0 =	vadd.bf16 v3, v0  }
0x1a0: {  	v8 =	vld [tilespmem:$0x1FE60];
	v3 =	vadd.bf16 v4, v54;
	v4 =	vadd.f32 v57, v16  }
0x1a1: {  	v61 =	vld [tilespmem:$0x1FE70]  }
0x1a2: {  	v9 =	vld [tilespmem:$0x1FE80];
	v5 =	vadd.bf16 v6, v5;
	[tilespmem:v45+s26+$0x0] =	vst.idx.msk $0xffff, v4  }
0x1a3: {  	v0 =	vadd.bf16 v0, v7;
	v3 =	vadd.bf16 v3, v49;
	v11 =	vld [tilespmem:$0x1FE90]  }
0x1a4: {  	v59 =	vunpack.i.u.bf16.f32 v55;
	v58 =	vadd.s32 v1, v50  }
0x1a5: {  	v8 =	vadd.s32 v8, v44;
	v0 =	vadd.bf16 v0, v5;
	v3 =	vmul.bf16 v32, v3  }
0x1a6: {  	v10 =	vadd.f32 v42, v16;
	v60 =	vadd.f32 v59, v16;
	v7 =	vadd.s32 v61, v44  }
0x1a7: {  	s11 =	sadd.s32 $0x1, s11;
	v9 =	vadd.s32 v9, v43;
	v0 =	vmul.bf16 v32, v0;
	v62 =	vunpack.i.l.bf16.f32 v3  }
0x1a8: {  	p1 =	sne.s32 s11, $0x8;
	[tilespmem:v33+s26+$0x0] =	vst.idx.msk $0xffff, v10;
	v3 =	vunpack.i.u.bf16.f32 v3;
	v4 =	vadd.f32 v62, v16;
	v11 =	vadd.s32 v11, v43  }
.Ltmp5:
0x1a9: {  	[tilespmem:v58+s26+$0x0] =	vst.idx.msk $0xffff, v60;
	v3 =	vadd.f32 v3, v16;
	v63 =	vunpack.i.l.bf16.f32 v0;
	(pc) =	sbr.rel @p1 .LBB2_7-.Ltmp5, $4  }
0x1aa: {  	v0 =	vunpack.i.u.bf16.f32 v0;
	v5 =	vadd.f32 v63, v16;
	[tilespmem:v8+s26+$0x0] =	vst.idx.msk $0xffff, v4  }
0x1ab: {  	v0 =	vadd.f32 v0, v16;
	[tilespmem:v7+s26+$0x0] =	vst.idx.msk $0xffff, v3  }
0x1ac: {  	[tilespmem:v9+s26+$0x0] =	vst.idx.msk $0xffff, v5  }
0x1ad: {  	v31 =	vlaneseq.u32;
	v1 =	vimm.bf16 $1.2500e-01;
	[tilespmem:v11+s26+$0x0] =	vst.idx.msk $0xffff, v0  }
0x1ae: {  	s2 =	smul.u32 $0x88, s21;
	_ =	sdelay $0x1  }
0x1af: {  	v0 =	vmov s2  }
0x1b0: {  	v0 =	vand.u32 $0xFFFFFFF0, v0  }
0x1b1: {  	v0 =	vbroadcast v0, $0x0;
	_ =	sdelay $0x2  }
0x1b2: {  	v3 =	vld [tilespmem:$0x1FF50];
	_ =	sdelay $0x2  }
0x1b3: {  	v0 =	vld.idx.msk [tilespmem:v0+s16+$0x0], $0xffff;
	_ =	sdelay $0x4  }
0x1b4: {  	[tilespmem:v3+s26+$0x0] =	vst.idx.msk $0xffff, v0;
	v3 =	vld [tilespmem:$0x1FF60];
	_ =	sdelay $0x2  }
0x1b5: {  	s9 =	sshll.u32 s21, $0x8  }
0x1b6: {  	s8 =	sshll.u32 s21, $0x7;
	s2 =	sand.u32 $0x7FFFF800, s9  }
0x1b7: {  	s8 =	sand.u32 $0x300, s8;
	s2 =	sadd.s32 s10, s2  }
0x1b8: {  	s2 =	sor.u32 s8, s2  }
0x1b9: {  	s2 =	sshrl.u32 s2, $0x3  }
0x1ba: {  	s2 =	sadd.s32 s6, s2;
	[tilespmem:v3+s26+$0x0] =	vst.idx.msk $0xffff, v0  }
0x1bb: {  	[hbm4b:s2+s14] =	stream.strided.scatter [tilespmem:s26], [sflag:$0x4], $0x400, s28, s14, $0x38;
	[tilespmem:$0xAD00] =	vst v63  }
0x1bc: {  	s9 =	simm.s32 $0x9100;
	s11 =	sadd.s32 $0x80, s2  }
0x1bd: {  	[hbm4b:s11+s14] =	stream.strided.scatter [tilespmem:s9], [sflag:$0x4], $0x400, s28, s14, $0x38;
	[tilespmem:$0xAD00] =	vst v63  }
0x1be: {  	s13 =	simm.s32 $0x9500;
	s12 =	sadd.s32 $0x8800, s2  }
0x1bf: {  	[hbm4b:s12+s14] =	stream.strided.scatter [tilespmem:s13], [sflag:$0x4], $0x400, s28, s14, $0x38;
	[tilespmem:$0xAD00] =	vst v63  }
0x1c0: {  	s23 =	simm.s32 $0x9900;
	s21 =	sadd.s32 $0x8880, s2  }
0x1c1: {  	[hbm4b:s21+s14] =	stream.strided.scatter [tilespmem:s23], [sflag:$0x4], $0x400, s28, s14, $0x38;
	[tilespmem:$0xAD00] =	vst v63  }
0x1c2: {  	s30 =	simm.s32 $0x9D00;
	s19 =	sadd.s32 $0x1, s19;
	s29 =	sadd.s32 $0x11000, s2  }
0x1c3: {  	[hbm4b:s29+s14] =	stream.strided.scatter [tilespmem:s30], [sflag:$0x4], $0x400, s28, s14, $0x38;
	[tilespmem:$0xAD00] =	vst v63  }
0x1c4: {  	p1 =	sne.s32 s19, $0x10;
	s8 =	sadd.s32 $0x80, s29  }
0x1c5: {  	[hbm4b:s8+s14] =	stream.strided.scatter [tilespmem:s3], [sflag:$0x4], $0x400, s28, s14, $0x38;
	[tilespmem:$0xAD00] =	vst v63  }
.Ltmp6:
0x1c6: {  	_ = 	snop;
	(pc) =	sbr.rel @p1 .LBB2_2-.Ltmp6, $4  }
0x1c7: {  	s2 =	sadd.s32 $0x19800, s2  }
0x1c8: {  	[hbm4b:s2+s14] =	stream.strided.scatter [tilespmem:s0], [sflag:$0x4], $0x400, s28, s14, $0x38;
	[tilespmem:$0xAD00] =	vst v63  }
0x1c9: {  	s2 =	sadd.s32 $0x80, s2  }
0x1ca: {  	[hbm4b:s2+s14] =	stream.strided.scatter [tilespmem:s15], [sflag:$0x4], $0x400, s28, s14, $0x38;
	[tilespmem:$0xAD00] =	vst v63  }
0x1cb: {  	s2 =	simm.s32 $0x3  }
0x1cc: {  	_ =	swait.ge [sflag:s2], $0x2000  }
.Ltmp7:
0x1cd: {  	[sflag:s2] =	ssyncset.done $0x0;
	(pc) =	sbr.rel @p0 .LBB2_15-.Ltmp7, $4  }
0x1ce: {  	[sflag:s2] =	ssyncadd.s32 $0xFFFFE000  }
0x1cf: {  	_ =	swait.ge [sflag:s17], $0x2000  }
0x1d0: {  	[sflag:s17] =	ssyncset.done $0x0  }
0x1d1: {  	s11 =	rddreg [dreg:$0xe];
	[sflag:s17] =	ssyncadd.s32 $0xFFFFE000  }
0x1d2: {  	s2 =	simm.s32 $0x0  }
0x1d3: {  	v0 =	vmov s2  }
0x1d4: {  	v3 =	vshll.u32 v0, $0x8;
	v0 =	vshll.u32 v0, $0x7  }
0x1d5: {  	v3 =	vand.u32 $0x1800, v3;
	v0 =	vand.u32 $0x380, v0  }
0x1d6: {  	v0 =	vor.u32 v0, v3  }
0x1d7: {  	v3 =	vld [tilespmem:$0x2800];
	v4 =	vor.u32 v31, v0  }
0x1d8: {  	v5 =	vld [tilespmem:$0x1FF70];
	_ =	sdelay $0x3  }
0x1d9: {  	[tilespmem:v4+s25+$0x0] =	vst.idx.msk $0xffff, v3  }
0x1da: {  	v4 =	vor.u32 v5, v0;
	v3 =	vld [tilespmem:$0x2810]  }
0x1db: {  	v6 =	vld [tilespmem:$0x1FF80];
	_ =	sdelay $0x3  }
0x1dc: {  	[tilespmem:v4+s25+$0x0] =	vst.idx.msk $0xffff, v3  }
0x1dd: {  	v4 =	vor.u32 v6, v0;
	v3 =	vld [tilespmem:$0x2820]  }
0x1de: {  	v7 =	vld [tilespmem:$0x1FF90];
	_ =	sdelay $0x3  }
0x1df: {  	[tilespmem:v4+s25+$0x0] =	vst.idx.msk $0xffff, v3  }
0x1e0: {  	v4 =	vor.u32 v7, v0;
	v3 =	vld [tilespmem:$0x2830]  }
0x1e1: {  	v8 =	vld [tilespmem:$0x1FFA0];
	_ =	sdelay $0x3  }
0x1e2: {  	[tilespmem:v4+s25+$0x0] =	vst.idx.msk $0xffff, v3  }
0x1e3: {  	v4 =	vor.u32 v8, v0;
	v3 =	vld [tilespmem:$0x2840]  }
0x1e4: {  	v9 =	vld [tilespmem:$0x1FFB0];
	_ =	sdelay $0x3  }
0x1e5: {  	[tilespmem:v4+s25+$0x0] =	vst.idx.msk $0xffff, v3  }
0x1e6: {  	v4 =	vor.u32 v9, v0;
	v3 =	vld [tilespmem:$0x2850]  }
0x1e7: {  	v10 =	vld [tilespmem:$0x1FFC0];
	_ =	sdelay $0x3  }
0x1e8: {  	[tilespmem:v4+s25+$0x0] =	vst.idx.msk $0xffff, v3  }
0x1e9: {  	v4 =	vor.u32 v10, v0;
	v3 =	vld [tilespmem:$0x2860]  }
0x1ea: {  	v11 =	vld [tilespmem:$0x1FFD0];
	_ =	sdelay $0x3  }
0x1eb: {  	[tilespmem:v4+s25+$0x0] =	vst.idx.msk $0xffff, v3  }
0x1ec: {  	v16 =	vor.u32 v11, v0;
	v15 =	vld [tilespmem:$0x2870]  }
0x1ed: {  	s30 =	simm.s32 $0x1  }
0x1ee: {  	s8 =	simm.s32 $0x2;
	v17 =	vmov s30  }
.LBB2_13:
0x1ef: {  	p1 =	sne.s32 s8, $0x1F;
	v0 =	vshll.u32 v17, $0x8;
	v3 =	vshll.u32 v17, $0x7  }
0x1f0: {  	v0 =	vand.u32 $0x1800, v0;
	v3 =	vand.u32 $0x380, v3  }
0x1f1: {  	v0 =	vor.u32 v3, v0;
	[tilespmem:v16+s25+$0x0] =	vst.idx.msk $0xffff, v15  }
0x1f2: {  	v3 =	vld [tilespmem:$0x2800];
	v4 =	vor.u32 v31, v0;
	_ =	sdelay $0x4  }
0x1f3: {  	[tilespmem:v4+s25+$0x0] =	vst.idx.msk $0xffff, v3  }
0x1f4: {  	v4 =	vor.u32 v5, v0;
	v3 =	vld [tilespmem:$0x2810];
	_ =	sdelay $0x4  }
0x1f5: {  	[tilespmem:v4+s25+$0x0] =	vst.idx.msk $0xffff, v3  }
0x1f6: {  	v4 =	vor.u32 v6, v0;
	v3 =	vld [tilespmem:$0x2820];
	_ =	sdelay $0x4  }
0x1f7: {  	[tilespmem:v4+s25+$0x0] =	vst.idx.msk $0xffff, v3  }
0x1f8: {  	v4 =	vor.u32 v7, v0;
	v3 =	vld [tilespmem:$0x2830];
	_ =	sdelay $0x4  }
0x1f9: {  	[tilespmem:v4+s25+$0x0] =	vst.idx.msk $0xffff, v3  }
0x1fa: {  	v4 =	vor.u32 v8, v0;
	v3 =	vld [tilespmem:$0x2840];
	_ =	sdelay $0x4  }
0x1fb: {  	[tilespmem:v4+s25+$0x0] =	vst.idx.msk $0xffff, v3  }
0x1fc: {  	v4 =	vor.u32 v9, v0;
	v3 =	vld [tilespmem:$0x2850];
	_ =	sdelay $0x4  }
0x1fd: {  	[tilespmem:v4+s25+$0x0] =	vst.idx.msk $0xffff, v3  }
0x1fe: {  	v4 =	vor.u32 v10, v0;
	v3 =	vld [tilespmem:$0x2860];
	_ =	sdelay $0x3  }
.Ltmp8:
0x1ff: {  	(pc) =	sbr.rel @p1 .LBB2_13-.Ltmp8, $3  }
0x200: {  	[tilespmem:v4+s25+$0x0] =	vst.idx.msk $0xffff, v3  }
0x201: {  	v16 =	vor.u32 v11, v0;
	v15 =	vld [tilespmem:$0x2870];
	_ =	sdelay $0x1  }
0x202: {  	v17 =	vmov s8;
	s8 =	sadd.s32 $0x1, s8  }
0x203: {  	_ =	sdelay $0x1  }
0x204: {  	v0 =	vshll.u32 v17, $0x8;
	v3 =	vshll.u32 v17, $0x7  }
0x205: {  	v0 =	vand.u32 $0x1800, v0;
	v3 =	vand.u32 $0x380, v3  }
0x206: {  	v0 =	vor.u32 v3, v0;
	[tilespmem:v16+s25+$0x0] =	vst.idx.msk $0xffff, v15  }
0x207: {  	v3 =	vld [tilespmem:$0x2800];
	v4 =	vor.u32 v31, v0;
	_ =	sdelay $0x4  }
0x208: {  	[tilespmem:v4+s25+$0x0] =	vst.idx.msk $0xffff, v3  }
0x209: {  	v58 =	vor.u32 v5, v0;
	v3 =	vld [tilespmem:$0x2810];
	_ =	sdelay $0x4  }
0x20a: {  	[tilespmem:v58+s25+$0x0] =	vst.idx.msk $0xffff, v3  }
0x20b: {  	v59 =	vor.u32 v6, v0;
	v3 =	vld [tilespmem:$0x2820];
	_ =	sdelay $0x4  }
0x20c: {  	[tilespmem:v59+s25+$0x0] =	vst.idx.msk $0xffff, v3  }
0x20d: {  	v60 =	vor.u32 v7, v0;
	v3 =	vld [tilespmem:$0x2830];
	_ =	sdelay $0x4  }
0x20e: {  	[tilespmem:v60+s25+$0x0] =	vst.idx.msk $0xffff, v3  }
0x20f: {  	v61 =	vor.u32 v8, v0;
	v3 =	vld [tilespmem:$0x2840];
	_ =	sdelay $0x4  }
0x210: {  	[tilespmem:v61+s25+$0x0] =	vst.idx.msk $0xffff, v3  }
0x211: {  	v62 =	vor.u32 v9, v0;
	v3 =	vld [tilespmem:$0x2850];
	_ =	sdelay $0x4  }
0x212: {  	[tilespmem:v62+s25+$0x0] =	vst.idx.msk $0xffff, v3  }
0x213: {  	v63 =	vor.u32 v10, v0;
	v3 =	vld [tilespmem:$0x2860];
	_ =	sdelay $0x4  }
0x214: {  	[tilespmem:v63+s25+$0x0] =	vst.idx.msk $0xffff, v3  }
0x215: {  	v0 =	vor.u32 v11, v0;
	v3 =	vld [tilespmem:$0x2870];
	_ =	sdelay $0x4  }
0x216: {  	[tilespmem:v0+s25+$0x0] =	vst.idx.msk $0xffff, v3;
	v0 =	vimm.s32 $0x80;
	_ =	sdelay $0x1  }
0x217: {  	v3 =	vld [tilespmem:$0x1FFE0];
	_ =	sdelay $0x2  }
0x218: {  	v0 =	vld.idx.msk [tilespmem:v0+s16+$0x0], $0xffff;
	_ =	sdelay $0x4  }
0x219: {  	[tilespmem:v3+s25+$0x0] =	vst.idx.msk $0xffff, v0;
	v3 =	vld [tilespmem:$0x1FFF0];
	_ =	sdelay $0x7  }
0x21a: {  	s8 =	rddreg [dreg:$0x7];
	[tilespmem:v3+s25+$0x0] =	vst.idx.msk $0xffff, v0  }
0x21b: {  	[hbm4b:s8+s14] =	stream.strided.scatter [tilespmem:s25], [sflag:$0x5], $0x400, s28, s14, $0x38;
	[tilespmem:$0xAD00] =	vst v63  }
0x21c: {  	s9 =	simm.s32 $0x7100;
	s2 =	sadd.s32 $0x80, s8  }
0x21d: {  	[hbm4b:s2+s14] =	stream.strided.scatter [tilespmem:s9], [sflag:$0x5], $0x400, s28, s14, $0x38;
	[tilespmem:$0xAD00] =	vst v63  }
0x21e: {  	s12 =	simm.s32 $0x7500;
	s9 =	sadd.s32 $0x8800, s8  }
0x21f: {  	[hbm4b:s9+s14] =	stream.strided.scatter [tilespmem:s12], [sflag:$0x5], $0x400, s28, s14, $0x38;
	[tilespmem:$0xAD00] =	vst v63  }
0x220: {  	s19 =	simm.s32 $0x7900;
	s13 =	sadd.s32 $0x8880, s8  }
0x221: {  	[hbm4b:s13+s14] =	stream.strided.scatter [tilespmem:s19], [sflag:$0x5], $0x400, s28, s14, $0x38;
	[tilespmem:$0xAD00] =	vst v63  }
0x222: {  	s23 =	simm.s32 $0x7D00;
	s21 =	sadd.s32 $0x11000, s8  }
0x223: {  	[hbm4b:s21+s14] =	stream.strided.scatter [tilespmem:s23], [sflag:$0x5], $0x400, s28, s14, $0x38;
	[tilespmem:$0xAD00] =	vst v63  }
0x224: {  	s2 =	sadd.s32 $0x80, s21  }
0x225: {  	[hbm4b:s2+s14] =	stream.strided.scatter [tilespmem:s18], [sflag:$0x5], $0x400, s28, s14, $0x38;
	[tilespmem:$0xAD00] =	vst v63  }
0x226: {  	s29 =	sadd.s32 $0x19800, s8  }
0x227: {  	[hbm4b:s29+s14] =	stream.strided.scatter [tilespmem:s20], [sflag:$0x5], $0x400, s28, s14, $0x38;
	[tilespmem:$0xAD00] =	vst v63  }
.Ltmp9:
0x228: {  	s30 =	simm.s32 $0x5;
	s2 =	sadd.s32 $0x80, s29;
	(pc) =	sbr.rel .LBB2_15-.Ltmp9, $4  }
0x229: {  	[hbm4b:s2+s14] =	stream.strided.scatter [tilespmem:s22], [sflag:$0x5], $0x400, s28, s14, $0x38;
	[tilespmem:$0xAD00] =	vst v63  }
0x22a: {  	_ =	swait.ge [sflag:s30], $0x2000  }
0x22b: {  	[sflag:s30] =	ssyncset.done $0x0  }
0x22c: {  	[sflag:s30] =	ssyncadd.s32 $0xFFFFE000  }
.LBB2_16:
0x22d: {  	_ =	sfence.sel $0x180000  }
0x22e: {  	[bflag:$0x0] =	sbarrier.arrive $0xFFFF  }
0x22f: {  	_ =	strace $0x90000047  }
0x230: {  	s0 =	stileid.u32;
	[bflag:$0x2] =	sbarrier.arrive $0xFFFF  }
0x231: {  	p0 =	sne.s32 s0, $0x0;
	s0 =	rddreg [dreg:$0x4]  }
0x232: {  	s0 =	sadd.s32 @!p0 $0x100000, s0  }
0x233: {  	[sflag:s0] =	ssyncadd.tile.s32 @!p0 $0x1;
	_ =	shalt  }
.Lfunc_end2:
_tile_overlayer_lowered:
.L_overlay_start_2:
0x234: {  	(tag) =	ssettag $0x2  }
0x235: {  	s0 =	rddreg [dreg:$0x0];
	s2 =	stileid.u32  }
0x236: {  	s1 =	rddreg [dreg:$0x1];
	p0 =	sne.s32 s2, $0x0  }
0x237: {  	s3 =	rddreg [dreg:$0x2];
	[bflag:$0x3] =	sbarrier.arrive $0xFFFF;
	s2 =	simm.s32 @!p0 $0x1C05  }
0x238: {  	[timem:s3], [sflag:s2] =	dma.local @!p0 [hbm:s0], s1  }
0x239: {  	s0 =	simm.s32 @!p0 $0x5  }
0x23a: {  	_ =	swait.ge @!p0 [sflag:s0], s1  }
0x23b: {  	s1 =	ssub.s32 @!p0 $0x0, s1;
	[sflag:s0] =	ssyncset.done @!p0 $0x0  }
0x23c: {  	[sflag:s0] =	ssyncadd.s32 @!p0 s1  }
0x23d: {  	[bflag:$0x3] =	sbarrier.arrive $0xFFFF  }
0x23e: {  	_ =	shalt  }

</sc_bundles>
